<compile_context>
chip_gen: v7x
topology: tpu7x:2x2x1
jax: 0.10.2.dev20260603
libtpu: 0.0.44.dev20260713+nightly
codegen_flags: <defaults>
</compile_context>

<pallas_src>
import jax
import jax.numpy as jnp
import numpy as np
from jax import lax
from jax.experimental import pallas as pl
from jax.experimental.pallas import tpu as pltpu
from jax.experimental.pallas import tpu_sc as plsc

BS, SEQ, EMB = 64, 2048, 1024
L = 16
NW = 32
ROWS_PER_W = BS // NW
NBLK = EMB // 128

_GDN = lax.GatherDimensionNumbers(
    offset_dims=(), collapsed_slice_dims=(0,), start_index_map=(0,)
)


def _lane_shuffle(v, idx):
    return lax.gather(
        v,
        idx[:, None],
        _GDN,
        slice_sizes=(1,),
        mode=lax.GatherScatterMode.PROMISE_IN_BOUNDS,
    )


def _lane_min(v):
    lane = lax.iota(jnp.int32, L)
    for s in (8, 4, 2, 1):
        v = jnp.minimum(v, _lane_shuffle(v, lane ^ s))
    return v


def _leading_count(mask_v, base):
    lane = lax.iota(jnp.int32, L)

    def _body(i, first):
        for q in range(4):
            v = mask_v[pl.ds(base + (4 * i + q) * L, L)]
            cand = jnp.where(v == 0, (4 * i + q) * L + lane, SEQ)
            first = jnp.minimum(first, cand)
        return first

    first = lax.fori_loop(
        0, SEQ // L // 4, _body, jnp.full((L,), SEQ, jnp.int32)
    )
    return _lane_min(first)


def _sc_body(
    tokens_hbm, mask_hbm, u_hbm, out_hbm, mask_v, u_v, idx_v, out_v, sem, sem_in
):
    nc = 2
    wid = lax.axis_index("s") * nc + lax.axis_index("c")
    lane = lax.iota(jnp.int32, L)
    b0 = wid * ROWS_PER_W

    in_copies = []
    for r in range(ROWS_PER_W):
        b = b0 + r
        in_copies.append(
            pltpu.async_copy(
                mask_hbm.at[b], mask_v.at[pl.ds(r * SEQ, SEQ)], sem_in
            )
        )
        in_copies.append(
            pltpu.async_copy(
                u_hbm.at[pl.ds(b * EMB, EMB)], u_v.at[pl.ds(r * EMB, EMB)], sem_in
            )
        )

    copies = []
    for r in range(ROWS_PER_W):
        b = b0 + r
        in_copies[2 * r].wait()
        in_copies[2 * r + 1].wait()
        leading = _leading_count(mask_v, r * SEQ)
        n_cand = jnp.maximum(leading - 1, 1)
        ncf = n_cand.astype(jnp.float32)
        ncm1 = n_cand - 1
        row0 = b * SEQ

        base_flat = b * (SEQ * EMB)

        def _samp(jc, _):
            uu = u_v[pl.ds(r * EMB + jc * L, L)]
            s = (uu * ncf).astype(jnp.int32)
            s = jnp.minimum(s, ncm1)
            j_hi = jc >> 3
            j_lo = (jc & 7) * L + lane
            e = base_flat + ((s >> 3) * 8 + j_hi) * 1024 + (s & 7) * 128 + j_lo
            idx_v[pl.ds(r * EMB + jc * L, L)] = e
            return 0

        lax.fori_loop(0, EMB // L, _samp, 0)

        for k in range(NBLK):
            g = r * NBLK + k
            copies.append(
                pltpu.async_copy(
                    tokens_hbm.at[idx_v.at[pl.ds(g * 128, 128)]],
                    out_v.at[pl.ds(g * 128, 128)],
                    sem,
                )
            )

    out_copies = []
    for g in range(ROWS_PER_W * NBLK):
        copies[g].wait()
        if g % NBLK == NBLK - 1:
            r = g // NBLK
            out_copies.append(
                pltpu.async_copy(
                    out_v.at[pl.ds(r * EMB, EMB)], out_hbm.at[b0 + r], sem_in
                )
            )
    for c in out_copies:
        c.wait()


@jax.jit
def _run(tokens, mask):
    mesh = plsc.VectorSubcoreMesh(core_axis_name="c", subcore_axis_name="s")
    fn = pl.kernel(
        _sc_body,
        out_type=jax.ShapeDtypeStruct((BS, EMB), jnp.float32),
        mesh=mesh,
        scratch_types=[
            pltpu.VMEM((ROWS_PER_W * SEQ,), jnp.int32),
            pltpu.VMEM((ROWS_PER_W * EMB,), jnp.float32),
            pltpu.VMEM((ROWS_PER_W * EMB,), jnp.int32),
            pltpu.VMEM((ROWS_PER_W * EMB,), jnp.float32),
            pltpu.SemaphoreType.DMA,
            pltpu.SemaphoreType.DMA,
        ],
        compiler_params=pltpu.CompilerParams(needs_layout_passes=False),
    )
    lin = (
        tokens.reshape(BS, SEQ // 8, 8, EMB // 128, 128)
        .transpose(0, 1, 3, 2, 4)
        .reshape(BS * SEQ * EMB)
    )
    return fn(lin, mask, jnp.asarray(_U_FLAT))


def _np_threefry2x32(k0, k1, x0, x1):
    rot = (13, 15, 26, 6, 17, 29, 16, 24)

    def rotl(x, d):
        return ((x << np.uint32(d)) | (x >> np.uint32(32 - d))).astype(np.uint32)

    ks = (np.uint32(k0), np.uint32(k1), np.uint32(np.uint32(k0) ^ np.uint32(k1) ^ np.uint32(0x1BD11BDA)))
    x0 = (x0 + ks[0]).astype(np.uint32)
    x1 = (x1 + ks[1]).astype(np.uint32)
    for r in range(5):
        rr = rot[:4] if r % 2 == 0 else rot[4:]
        for i in range(4):
            x0 = (x0 + x1).astype(np.uint32)
            x1 = rotl(x1, rr[i])
            x1 = x1 ^ x0
        x0 = (x0 + ks[(r + 1) % 3]).astype(np.uint32)
        x1 = (x1 + ks[(r + 2) % 3] + np.uint32(r + 1)).astype(np.uint32)
    return x0, x1


def _np_uniform_key42(n):
    o0, o1 = _np_threefry2x32(
        0, 42, np.zeros(n, np.uint32), np.arange(n, dtype=np.uint32)
    )
    bits = o0 ^ o1
    return ((bits >> np.uint32(9)) | np.uint32(0x3F800000)).view(
        np.float32
    ) - np.float32(1.0)


_U_FLAT = _np_uniform_key42(BS * EMB)


def kernel(output_tokens_from_bert, attention_mask):
    return _run(output_tokens_from_bert, attention_mask.astype(jnp.int32))

# --- scband reference (transcript-rebuilt; emitter-appended) ---
"""Pipeline reference for scband-condensed-embracement-layer-69423851372962 (READ-ONLY COPY).

The authoritative reference and input builder live on the scoring server;
editing this copy changes nothing except your own understanding.
"""

import jax, jax.numpy as jnp
import numpy as np


def setup_inputs(seed: int = 0) -> dict:
    key = jax.random.key(seed)
    bs, seq_len, emb = 64, 2048, 1024
    k1 = jax.random.fold_in(key, 1)
    output_tokens_from_bert = jax.random.normal(k1, (bs, seq_len, emb), dtype=jnp.float32)
    attention_mask = jnp.ones((bs, seq_len), dtype=jnp.int32)
    return {"output_tokens_from_bert": output_tokens_from_bert, "attention_mask": attention_mask}


def reference(output_tokens_from_bert, attention_mask):
    # Faithful translation of CondensedEmbracementLayer.forward.
    # Original: per batch row, count leading 1s in attention_mask -> last_idx
    # (index of last contiguous 1), take tokens[0:last_idx], sample emb_size
    # token positions uniformly with replacement (uniform multinomial), and
    # build output[b, j] = tokens[b, sampled_idx[b, j], j].
    bs, seq_len, emb_size = output_tokens_from_bert.shape
    mask = attention_mask.astype(jnp.int32)
    # number of leading ones per row
    first_zero = jnp.argmin(mask, axis=1)
    all_ones = jnp.min(mask, axis=1) == 1
    leading = jnp.where(all_ones, seq_len, first_zero)
    # torch code uses tokens[0:last_idx] where last_idx = leading - 1,
    # so the number of candidate tokens is (leading - 1)
    n_cand = jnp.maximum(leading - 1, 1)  # exclusive upper bound for sampling
    # uniform multinomial with replacement == uniform integer sampling in [0, n_cand)
    skey = jax.random.key(42)
    u = jax.random.uniform(skey, (bs, emb_size), dtype=jnp.float32)
    idx = jnp.floor(u * n_cand[:, None].astype(jnp.float32)).astype(jnp.int32)
    idx = jnp.clip(idx, 0, (n_cand - 1)[:, None])
    # out[b, j] = tokens[b, idx[b, j], j]  (gather along seq axis, per-feature index)
    out = jnp.take_along_axis(output_tokens_from_bert, idx[:, None, :], axis=1)[:, 0, :]
    return out

if __name__ == "__main__":
    import jax
    _d = setup_inputs()
    print(jax.jit(kernel)(*tuple(_d.values())))

</pallas_src>

<mosaic_0001>
#map = affine_map<(d0, d1) -> (0)>
#map1 = affine_map<(d0, d1) -> (0, 0)>
module attributes {stable_mosaic.version = 14 : i64} {
  func.func @_sc_body(%arg0: i32, %arg1: i32, %arg2: memref<134217728xf32, #tpu.memory_space<hbm>>, %arg3: memref<64x2048xi32, #tpu.memory_space<hbm>>, %arg4: memref<65536xf32, #tpu.memory_space<hbm>>, %arg5: memref<64x1024xf32, #tpu.memory_space<hbm>>, %arg6: memref<4096xi32, #tpu.memory_space<vmem>>, %arg7: memref<2048xf32, #tpu.memory_space<vmem>>, %arg8: memref<2048xi32, #tpu.memory_space<vmem>>, %arg9: memref<2048xf32, #tpu.memory_space<vmem>>, %arg10: memref<!tpu.dma_semaphore, #tpu.memory_space<semaphore_mem>>, %arg11: memref<!tpu.dma_semaphore, #tpu.memory_space<semaphore_mem>>) attributes {dimension_semantics = [#tpu.dimension_semantics<core_parallel>, #tpu.dimension_semantics<subcore_parallel>], iteration_bounds = array<i64: 2, 16>, scalar_prefetch = 0 : i64, scratch_operands = 6 : i64, tpu.core_type = #tpu.core_type<sc_vector_subcore>, window_params = [{transform_indices = #map}, {transform_indices = #map1}, {transform_indices = #map}, {transform_indices = #map1}]} {
    %mul3A = arith.constant 2 : i32
    %mul3A_0 = arith.muli %arg1, %mul3A : i32
    %add3A = arith.addi %mul3A_0, %arg0 : i32
    %iota3A = tpu.iota {dimensions = array<i32: 0>} : vector<16xi32>
    %mul3A_1 = arith.constant 2 : i32
    %mul3A_2 = arith.muli %add3A, %mul3A_1 : i32
    %add3A_3 = arith.constant 0 : i32
    %add3A_4 = arith.addi %mul3A_2, %add3A_3 : i32
    %dma_start3A = arith.constant 0 : i32
    %dma_start3A_5 = tpu.memref_slice %arg6[%dma_start3A] : memref<4096xi32, #tpu.memory_space<vmem>> -> memref<2048xi32, #tpu.memory_space<vmem>>
    %dma_start3A_6 = arith.constant 0 : i32
    %dma_start3A_7 = tpu.memref_slice %arg3[%add3A_4, %dma_start3A_6] : memref<64x2048xi32, #tpu.memory_space<hbm>> -> memref<1x2048xi32, #tpu.memory_space<hbm>>
    %dma_start3A_8 = tpu.memref_squeeze %dma_start3A_7 : memref<1x2048xi32, #tpu.memory_space<hbm>> -> memref<2048xi32, #tpu.memory_space<hbm>>
    %dma_start3A_9 = arith.constant 0 : i32
    %dma_start3A_10 = tpu.memref_slice %arg6[%dma_start3A_9] : memref<4096xi32, #tpu.memory_space<vmem>> -> memref<2048xi32, #tpu.memory_space<vmem>>
    %dma_start3A_11 = arith.constant 0 : i32
    %dma_start3A_12 = tpu.memref_slice %arg3[%add3A_4, %dma_start3A_11] : memref<64x2048xi32, #tpu.memory_space<hbm>> -> memref<1x2048xi32, #tpu.memory_space<hbm>>
    %dma_start3A_13 = tpu.memref_squeeze %dma_start3A_12 : memref<1x2048xi32, #tpu.memory_space<hbm>> -> memref<2048xi32, #tpu.memory_space<hbm>>
    tpu.enqueue_dma source(%dma_start3A_13 : memref<2048xi32, #tpu.memory_space<hbm>>) target(%dma_start3A_10 : memref<2048xi32, #tpu.memory_space<vmem>>) target_semaphore(%arg11 : memref<!tpu.dma_semaphore, #tpu.memory_space<semaphore_mem>>)
    %mul3A_14 = arith.constant 1024 : i32
    %mul3A_15 = arith.muli %add3A_4, %mul3A_14 : i32
    %dma_start3A_16 = arith.constant 0 : i32
    %dma_start3A_17 = tpu.memref_slice %arg7[%dma_start3A_16] : memref<2048xf32, #tpu.memory_space<vmem>> -> memref<1024xf32, #tpu.memory_space<vmem>>
    %dma_start3A_18 = tpu.memref_slice %arg4[%mul3A_15] : memref<65536xf32, #tpu.memory_space<hbm>> -> memref<1024xf32, #tpu.memory_space<hbm>>
    %dma_start3A_19 = arith.constant 0 : i32
    %dma_start3A_20 = tpu.memref_slice %arg7[%dma_start3A_19] : memref<2048xf32, #tpu.memory_space<vmem>> -> memref<1024xf32, #tpu.memory_space<vmem>>
    %dma_start3A_21 = tpu.memref_slice %arg4[%mul3A_15] : memref<65536xf32, #tpu.memory_space<hbm>> -> memref<1024xf32, #tpu.memory_space<hbm>>
    tpu.enqueue_dma source(%dma_start3A_21 : memref<1024xf32, #tpu.memory_space<hbm>>) target(%dma_start3A_20 : memref<1024xf32, #tpu.memory_space<vmem>>) target_semaphore(%arg11 : memref<!tpu.dma_semaphore, #tpu.memory_space<semaphore_mem>>)
    %add3A_22 = arith.constant 1 : i32
    %add3A_23 = arith.addi %mul3A_2, %add3A_22 : i32
    %dma_start3A_24 = arith.constant 2048 : i32
    %dma_start3A_25 = tpu.memref_slice %arg6[%dma_start3A_24] : memref<4096xi32, #tpu.memory_space<vmem>> -> memref<2048xi32, #tpu.memory_space<vmem>>
    %dma_start3A_26 = arith.constant 0 : i32
    %dma_start3A_27 = tpu.memref_slice %arg3[%add3A_23, %dma_start3A_26] : memref<64x2048xi32, #tpu.memory_space<hbm>> -> memref<1x2048xi32, #tpu.memory_space<hbm>>
    %dma_start3A_28 = tpu.memref_squeeze %dma_start3A_27 : memref<1x2048xi32, #tpu.memory_space<hbm>> -> memref<2048xi32, #tpu.memory_space<hbm>>
    %dma_start3A_29 = arith.constant 2048 : i32
    %dma_start3A_30 = tpu.memref_slice %arg6[%dma_start3A_29] : memref<4096xi32, #tpu.memory_space<vmem>> -> memref<2048xi32, #tpu.memory_space<vmem>>
    %dma_start3A_31 = arith.constant 0 : i32
    %dma_start3A_32 = tpu.memref_slice %arg3[%add3A_23, %dma_start3A_31] : memref<64x2048xi32, #tpu.memory_space<hbm>> -> memref<1x2048xi32, #tpu.memory_space<hbm>>
    %dma_start3A_33 = tpu.memref_squeeze %dma_start3A_32 : memref<1x2048xi32, #tpu.memory_space<hbm>> -> memref<2048xi32, #tpu.memory_space<hbm>>
    tpu.enqueue_dma source(%dma_start3A_33 : memref<2048xi32, #tpu.memory_space<hbm>>) target(%dma_start3A_30 : memref<2048xi32, #tpu.memory_space<vmem>>) target_semaphore(%arg11 : memref<!tpu.dma_semaphore, #tpu.memory_space<semaphore_mem>>)
    %mul3A_34 = arith.constant 1024 : i32
    %mul3A_35 = arith.muli %add3A_23, %mul3A_34 : i32
    %dma_start3A_36 = arith.constant 1024 : i32
    %dma_start3A_37 = tpu.memref_slice %arg7[%dma_start3A_36] : memref<2048xf32, #tpu.memory_space<vmem>> -> memref<1024xf32, #tpu.memory_space<vmem>>
    %dma_start3A_38 = tpu.memref_slice %arg4[%mul3A_35] : memref<65536xf32, #tpu.memory_space<hbm>> -> memref<1024xf32, #tpu.memory_space<hbm>>
    %dma_start3A_39 = arith.constant 1024 : i32
    %dma_start3A_40 = tpu.memref_slice %arg7[%dma_start3A_39] : memref<2048xf32, #tpu.memory_space<vmem>> -> memref<1024xf32, #tpu.memory_space<vmem>>
    %dma_start3A_41 = tpu.memref_slice %arg4[%mul3A_35] : memref<65536xf32, #tpu.memory_space<hbm>> -> memref<1024xf32, #tpu.memory_space<hbm>>
    tpu.enqueue_dma source(%dma_start3A_41 : memref<1024xf32, #tpu.memory_space<hbm>>) target(%dma_start3A_40 : memref<1024xf32, #tpu.memory_space<vmem>>) target_semaphore(%arg11 : memref<!tpu.dma_semaphore, #tpu.memory_space<semaphore_mem>>)
    %add3A_42 = arith.constant 0 : i32
    %add3A_43 = arith.addi %mul3A_2, %add3A_42 : i32
    %dma_wait3A = arith.constant 0 : i32
    %dma_wait3A_44 = tpu.memref_slice %arg6[%dma_wait3A] : memref<4096xi32, #tpu.memory_space<vmem>> -> memref<2048xi32, #tpu.memory_space<vmem>>
    %dma_wait3A_45 = arith.constant 0 : i32
    %dma_wait3A_46 = tpu.memref_slice %arg3[%add3A_4, %dma_wait3A_45] : memref<64x2048xi32, #tpu.memory_space<hbm>> -> memref<1x2048xi32, #tpu.memory_space<hbm>>
    %dma_wait3A_47 = tpu.memref_squeeze %dma_wait3A_46 : memref<1x2048xi32, #tpu.memory_space<hbm>> -> memref<2048xi32, #tpu.memory_space<hbm>>
    %dma_wait3A_48 = arith.constant 0 : i32
    %dma_wait3A_49 = tpu.memref_slice %arg6[%dma_wait3A_48] : memref<4096xi32, #tpu.memory_space<vmem>> -> memref<2048xi32, #tpu.memory_space<vmem>>
    %dma_wait3A_50 = arith.constant 0 : i32
    %dma_wait3A_51 = tpu.memref_slice %arg3[%add3A_4, %dma_wait3A_50] : memref<64x2048xi32, #tpu.memory_space<hbm>> -> memref<1x2048xi32, #tpu.memory_space<hbm>>
    %dma_wait3A_52 = tpu.memref_squeeze %dma_wait3A_51 : memref<1x2048xi32, #tpu.memory_space<hbm>> -> memref<2048xi32, #tpu.memory_space<hbm>>
    tpu.wait_dma2 semaphore(%arg11 : memref<!tpu.dma_semaphore, #tpu.memory_space<semaphore_mem>>) src(%dma_wait3A_52 : memref<2048xi32, #tpu.memory_space<hbm>>) dst(%dma_wait3A_49 : memref<2048xi32, #tpu.memory_space<vmem>>)
    %dma_wait3A_53 = arith.constant 0 : i32
    %dma_wait3A_54 = tpu.memref_slice %arg7[%dma_wait3A_53] : memref<2048xf32, #tpu.memory_space<vmem>> -> memref<1024xf32, #tpu.memory_space<vmem>>
    %dma_wait3A_55 = tpu.memref_slice %arg4[%mul3A_15] : memref<65536xf32, #tpu.memory_space<hbm>> -> memref<1024xf32, #tpu.memory_space<hbm>>
    %dma_wait3A_56 = arith.constant 0 : i32
    %dma_wait3A_57 = tpu.memref_slice %arg7[%dma_wait3A_56] : memref<2048xf32, #tpu.memory_space<vmem>> -> memref<1024xf32, #tpu.memory_space<vmem>>
    %dma_wait3A_58 = tpu.memref_slice %arg4[%mul3A_15] : memref<65536xf32, #tpu.memory_space<hbm>> -> memref<1024xf32, #tpu.memory_space<hbm>>
    tpu.wait_dma2 semaphore(%arg11 : memref<!tpu.dma_semaphore, #tpu.memory_space<semaphore_mem>>) src(%dma_wait3A_58 : memref<1024xf32, #tpu.memory_space<hbm>>) dst(%dma_wait3A_57 : memref<1024xf32, #tpu.memory_space<vmem>>)
    %iota3A_59 = tpu.iota {dimensions = array<i32: 0>} : vector<16xi32>
    %broadcast_in_dim3A = arith.constant 2048 : i32
    %broadcast_in_dim3A_60 = vector.broadcast %broadcast_in_dim3A : i32 to vector<16xi32>
    %scan3A = arith.constant 0 : i32
    %scan3A_61 = arith.constant 32 : i32
    %scan3A_62 = arith.addi %scan3A, %scan3A_61 : i32
    %scan3A_63 = arith.constant 1 : i32
    %scan3A_64 = scf.for %scan3A_423 = %scan3A to %scan3A_62 step %scan3A_63 iter_args(%scan3A_424 = %broadcast_in_dim3A_60) -> (vector<16xi32>)  : i32 {
      %mul3A_425 = arith.constant 4 : i32
      %mul3A_426 = arith.muli %mul3A_425, %scan3A_423 : i32
      %add3A_427 = arith.constant 0 : i32
      %add3A_428 = arith.addi %mul3A_426, %add3A_427 : i32
      %mul3A_429 = arith.constant 16 : i32
      %mul3A_430 = arith.muli %add3A_428, %mul3A_429 : i32
      %add3A_431 = arith.constant 0 : i32
      %add3A_432 = arith.addi %add3A_431, %mul3A_430 : i32
      %get3A = arith.index_cast %add3A_432 : i32 to index
      %get3A_433 = tpu.vector_load %arg6[%get3A] {strides = array<i32>} : memref<4096xi32, #tpu.memory_space<vmem>>, vector<16xi32>,
      %eq3A = arith.constant 0 : i32
      %eq3A_434 = vector.broadcast %eq3A : i32 to vector<16xi32>
      %eq3A_435 = arith.cmpi eq, %get3A_433, %eq3A_434 : vector<16xi32>
      %mul3A_436 = arith.constant 4 : i32
      %mul3A_437 = arith.muli %mul3A_436, %scan3A_423 : i32
      %add3A_438 = arith.constant 0 : i32
      %add3A_439 = arith.addi %mul3A_437, %add3A_438 : i32
      %mul3A_440 = arith.constant 16 : i32
      %mul3A_441 = arith.muli %add3A_439, %mul3A_440 : i32
      %add3A_442 = vector.broadcast %mul3A_441 : i32 to vector<16xi32>
      %add3A_443 = arith.addi %add3A_442, %iota3A_59 : vector<16xi32>
      %jit3A = arith.constant 2048 : i32
      %broadcast_in_dim3A_444 = vector.broadcast %jit3A : i32 to vector<16xi32>
      %select_n3A = arith.select %eq3A_435, %add3A_443, %broadcast_in_dim3A_444 : vector<16xi1>, vector<16xi32>
      %min3A_445 = arith.minsi %scan3A_424, %select_n3A : vector<16xi32>
      %mul3A_446 = arith.constant 4 : i32
      %mul3A_447 = arith.muli %mul3A_446, %scan3A_423 : i32
      %add3A_448 = arith.constant 1 : i32
      %add3A_449 = arith.addi %mul3A_447, %add3A_448 : i32
      %mul3A_450 = arith.constant 16 : i32
      %mul3A_451 = arith.muli %add3A_449, %mul3A_450 : i32
      %add3A_452 = arith.constant 0 : i32
      %add3A_453 = arith.addi %add3A_452, %mul3A_451 : i32
      %get3A_454 = arith.index_cast %add3A_453 : i32 to index
      %get3A_455 = tpu.vector_load %arg6[%get3A_454] {strides = array<i32>} : memref<4096xi32, #tpu.memory_space<vmem>>, vector<16xi32>,
      %eq3A_456 = arith.constant 0 : i32
      %eq3A_457 = vector.broadcast %eq3A_456 : i32 to vector<16xi32>
      %eq3A_458 = arith.cmpi eq, %get3A_455, %eq3A_457 : vector<16xi32>
      %mul3A_459 = arith.constant 4 : i32
      %mul3A_460 = arith.muli %mul3A_459, %scan3A_423 : i32
      %add3A_461 = arith.constant 1 : i32
      %add3A_462 = arith.addi %mul3A_460, %add3A_461 : i32
      %mul3A_463 = arith.constant 16 : i32
      %mul3A_464 = arith.muli %add3A_462, %mul3A_463 : i32
      %add3A_465 = vector.broadcast %mul3A_464 : i32 to vector<16xi32>
      %add3A_466 = arith.addi %add3A_465, %iota3A_59 : vector<16xi32>
      %jit3A_467 = arith.constant 2048 : i32
      %broadcast_in_dim3A_468 = vector.broadcast %jit3A_467 : i32 to vector<16xi32>
      %select_n3A_469 = arith.select %eq3A_458, %add3A_466, %broadcast_in_dim3A_468 : vector<16xi1>, vector<16xi32>
      %min3A_470 = arith.minsi %min3A_445, %select_n3A_469 : vector<16xi32>
      %mul3A_471 = arith.constant 4 : i32
      %mul3A_472 = arith.muli %mul3A_471, %scan3A_423 : i32
      %add3A_473 = arith.constant 2 : i32
      %add3A_474 = arith.addi %mul3A_472, %add3A_473 : i32
      %mul3A_475 = arith.constant 16 : i32
      %mul3A_476 = arith.muli %add3A_474, %mul3A_475 : i32
      %add3A_477 = arith.constant 0 : i32
      %add3A_478 = arith.addi %add3A_477, %mul3A_476 : i32
      %get3A_479 = arith.index_cast %add3A_478 : i32 to index
      %get3A_480 = tpu.vector_load %arg6[%get3A_479] {strides = array<i32>} : memref<4096xi32, #tpu.memory_space<vmem>>, vector<16xi32>,
      %eq3A_481 = arith.constant 0 : i32
      %eq3A_482 = vector.broadcast %eq3A_481 : i32 to vector<16xi32>
      %eq3A_483 = arith.cmpi eq, %get3A_480, %eq3A_482 : vector<16xi32>
      %mul3A_484 = arith.constant 4 : i32
      %mul3A_485 = arith.muli %mul3A_484, %scan3A_423 : i32
      %add3A_486 = arith.constant 2 : i32
      %add3A_487 = arith.addi %mul3A_485, %add3A_486 : i32
      %mul3A_488 = arith.constant 16 : i32
      %mul3A_489 = arith.muli %add3A_487, %mul3A_488 : i32
      %add3A_490 = vector.broadcast %mul3A_489 : i32 to vector<16xi32>
      %add3A_491 = arith.addi %add3A_490, %iota3A_59 : vector<16xi32>
      %jit3A_492 = arith.constant 2048 : i32
      %broadcast_in_dim3A_493 = vector.broadcast %jit3A_492 : i32 to vector<16xi32>
      %select_n3A_494 = arith.select %eq3A_483, %add3A_491, %broadcast_in_dim3A_493 : vector<16xi1>, vector<16xi32>
      %min3A_495 = arith.minsi %min3A_470, %select_n3A_494 : vector<16xi32>
      %mul3A_496 = arith.constant 4 : i32
      %mul3A_497 = arith.muli %mul3A_496, %scan3A_423 : i32
      %add3A_498 = arith.constant 3 : i32
      %add3A_499 = arith.addi %mul3A_497, %add3A_498 : i32
      %mul3A_500 = arith.constant 16 : i32
      %mul3A_501 = arith.muli %add3A_499, %mul3A_500 : i32
      %add3A_502 = arith.constant 0 : i32
      %add3A_503 = arith.addi %add3A_502, %mul3A_501 : i32
      %get3A_504 = arith.index_cast %add3A_503 : i32 to index
      %get3A_505 = tpu.vector_load %arg6[%get3A_504] {strides = array<i32>} : memref<4096xi32, #tpu.memory_space<vmem>>, vector<16xi32>,
      %eq3A_506 = arith.constant 0 : i32
      %eq3A_507 = vector.broadcast %eq3A_506 : i32 to vector<16xi32>
      %eq3A_508 = arith.cmpi eq, %get3A_505, %eq3A_507 : vector<16xi32>
      %mul3A_509 = arith.constant 4 : i32
      %mul3A_510 = arith.muli %mul3A_509, %scan3A_423 : i32
      %add3A_511 = arith.constant 3 : i32
      %add3A_512 = arith.addi %mul3A_510, %add3A_511 : i32
      %mul3A_513 = arith.constant 16 : i32
      %mul3A_514 = arith.muli %add3A_512, %mul3A_513 : i32
      %add3A_515 = vector.broadcast %mul3A_514 : i32 to vector<16xi32>
      %add3A_516 = arith.addi %add3A_515, %iota3A_59 : vector<16xi32>
      %jit3A_517 = arith.constant 2048 : i32
      %broadcast_in_dim3A_518 = vector.broadcast %jit3A_517 : i32 to vector<16xi32>
      %select_n3A_519 = arith.select %eq3A_508, %add3A_516, %broadcast_in_dim3A_518 : vector<16xi1>, vector<16xi32>
      %min3A_520 = arith.minsi %min3A_495, %select_n3A_519 : vector<16xi32>
      scf.yield %min3A_520 : vector<16xi32>
    }
    %scan3A_65 = arith.constant 32 : i32
    %iota3A_66 = tpu.iota {dimensions = array<i32: 0>} : vector<16xi32>
    %xor3A = arith.constant 8 : i32
    %xor3A_67 = vector.broadcast %xor3A : i32 to vector<16xi32>
    %xor3A_68 = arith.xori %iota3A_66, %xor3A_67 : vector<16xi32>
    %broadcast_in_dim3A_69 = vector.shape_cast %xor3A_68 : vector<16xi32> to vector<16x1xi32>
    %gather3A = vector.shape_cast %broadcast_in_dim3A_69 : vector<16x1xi32> to vector<16xi32>
    %gather3A_70 = tpu.dynamic_gather %scan3A_64[%gather3A] in [0] : vector<16xi32>, vector<16xi32> -> vector<16xi32>
    %min3A = arith.minsi %scan3A_64, %gather3A_70 : vector<16xi32>
    %xor3A_71 = arith.constant 4 : i32
    %xor3A_72 = vector.broadcast %xor3A_71 : i32 to vector<16xi32>
    %xor3A_73 = arith.xori %iota3A_66, %xor3A_72 : vector<16xi32>
    %broadcast_in_dim3A_74 = vector.shape_cast %xor3A_73 : vector<16xi32> to vector<16x1xi32>
    %gather3A_75 = vector.shape_cast %broadcast_in_dim3A_74 : vector<16x1xi32> to vector<16xi32>
    %gather3A_76 = tpu.dynamic_gather %min3A[%gather3A_75] in [0] : vector<16xi32>, vector<16xi32> -> vector<16xi32>
    %min3A_77 = arith.minsi %min3A, %gather3A_76 : vector<16xi32>
    %xor3A_78 = arith.constant 2 : i32
    %xor3A_79 = vector.broadcast %xor3A_78 : i32 to vector<16xi32>
    %xor3A_80 = arith.xori %iota3A_66, %xor3A_79 : vector<16xi32>
    %broadcast_in_dim3A_81 = vector.shape_cast %xor3A_80 : vector<16xi32> to vector<16x1xi32>
    %gather3A_82 = vector.shape_cast %broadcast_in_dim3A_81 : vector<16x1xi32> to vector<16xi32>
    %gather3A_83 = tpu.dynamic_gather %min3A_77[%gather3A_82] in [0] : vector<16xi32>, vector<16xi32> -> vector<16xi32>
    %min3A_84 = arith.minsi %min3A_77, %gather3A_83 : vector<16xi32>
    %xor3A_85 = arith.constant 1 : i32
    %xor3A_86 = vector.broadcast %xor3A_85 : i32 to vector<16xi32>
    %xor3A_87 = arith.xori %iota3A_66, %xor3A_86 : vector<16xi32>
    %broadcast_in_dim3A_88 = vector.shape_cast %xor3A_87 : vector<16xi32> to vector<16x1xi32>
    %gather3A_89 = vector.shape_cast %broadcast_in_dim3A_88 : vector<16x1xi32> to vector<16xi32>
    %gather3A_90 = tpu.dynamic_gather %min3A_84[%gather3A_89] in [0] : vector<16xi32>, vector<16xi32> -> vector<16xi32>
    %min3A_91 = arith.minsi %min3A_84, %gather3A_90 : vector<16xi32>
    %sub3A = arith.constant 1 : i32
    %sub3A_92 = vector.broadcast %sub3A : i32 to vector<16xi32>
    %sub3A_93 = arith.subi %min3A_91, %sub3A_92 : vector<16xi32>
    %max3A = arith.constant 1 : i32
    %max3A_94 = vector.broadcast %max3A : i32 to vector<16xi32>
    %max3A_95 = arith.maxsi %sub3A_93, %max3A_94 : vector<16xi32>
    %convert_element_type3A = arith.sitofp %max3A_95 : vector<16xi32> to vector<16xf32>
    %sub3A_96 = arith.constant 1 : i32
    %sub3A_97 = vector.broadcast %sub3A_96 : i32 to vector<16xi32>
    %sub3A_98 = arith.subi %max3A_95, %sub3A_97 : vector<16xi32>
    %mul3A_99 = arith.constant 2048 : i32
    %mul3A_100 = arith.muli %add3A_43, %mul3A_99 : i32
    %mul3A_101 = arith.constant 2097152 : i32
    %mul3A_102 = arith.muli %add3A_43, %mul3A_101 : i32
    %scan3A_103 = arith.constant 0 : i32
    %scan3A_104 = arith.constant 0 : i32
    %scan3A_105 = arith.constant 64 : i32
    %scan3A_106 = arith.addi %scan3A_104, %scan3A_105 : i32
    %scan3A_107 = arith.constant 1 : i32
    %scan3A_108 = scf.for %scan3A_423 = %scan3A_104 to %scan3A_106 step %scan3A_107 iter_args(%scan3A_424 = %scan3A_103) -> (i32)  : i32 {
      %mul3A_425 = arith.constant 16 : i32
      %mul3A_426 = arith.muli %scan3A_423, %mul3A_425 : i32
      %add3A_427 = arith.constant 0 : i32
      %add3A_428 = arith.addi %add3A_427, %mul3A_426 : i32
      %get3A = arith.index_cast %add3A_428 : i32 to index
      %get3A_429 = tpu.vector_load %arg7[%get3A] {strides = array<i32>} : memref<2048xf32, #tpu.memory_space<vmem>>, vector<16xf32>,
      %mul3A_430 = arith.mulf %get3A_429, %convert_element_type3A : vector<16xf32>
      %convert_element_type3A_431 = arith.fptosi %mul3A_430 : vector<16xf32> to vector<16xi32>
      %min3A_432 = arith.minsi %convert_element_type3A_431, %sub3A_98 : vector<16xi32>
      %shift_right_arithmetic3A = arith.constant 3 : i32
      %shift_right_arithmetic3A_433 = arith.shrsi %scan3A_423, %shift_right_arithmetic3A : i32
      %and3A = arith.constant 7 : i32
      %and3A_434 = arith.andi %scan3A_423, %and3A : i32
      %mul3A_435 = arith.constant 16 : i32
      %mul3A_436 = arith.muli %and3A_434, %mul3A_435 : i32
      %add3A_437 = vector.broadcast %mul3A_436 : i32 to vector<16xi32>
      %add3A_438 = arith.addi %add3A_437, %iota3A : vector<16xi32>
      %shift_right_arithmetic3A_439 = arith.constant 3 : i32
      %shift_right_arithmetic3A_440 = vector.broadcast %shift_right_arithmetic3A_439 : i32 to vector<16xi32>
      %shift_right_arithmetic3A_441 = arith.shrsi %min3A_432, %shift_right_arithmetic3A_440 : vector<16xi32>
      %mul3A_442 = arith.constant 8 : i32
      %mul3A_443 = vector.broadcast %mul3A_442 : i32 to vector<16xi32>
      %mul3A_444 = arith.muli %shift_right_arithmetic3A_441, %mul3A_443 : vector<16xi32>
      %add3A_445 = vector.broadcast %shift_right_arithmetic3A_433 : i32 to vector<16xi32>
      %add3A_446 = arith.addi %mul3A_444, %add3A_445 : vector<16xi32>
      %mul3A_447 = arith.constant 1024 : i32
      %mul3A_448 = vector.broadcast %mul3A_447 : i32 to vector<16xi32>
      %mul3A_449 = arith.muli %add3A_446, %mul3A_448 : vector<16xi32>
      %add3A_450 = vector.broadcast %mul3A_102 : i32 to vector<16xi32>
      %add3A_451 = arith.addi %add3A_450, %mul3A_449 : vector<16xi32>
      %and3A_452 = arith.constant 7 : i32
      %and3A_453 = vector.broadcast %and3A_452 : i32 to vector<16xi32>
      %and3A_454 = arith.andi %min3A_432, %and3A_453 : vector<16xi32>
      %mul3A_455 = arith.constant 128 : i32
      %mul3A_456 = vector.broadcast %mul3A_455 : i32 to vector<16xi32>
      %mul3A_457 = arith.muli %and3A_454, %mul3A_456 : vector<16xi32>
      %add3A_458 = arith.addi %add3A_451, %mul3A_457 : vector<16xi32>
      %add3A_459 = arith.addi %add3A_458, %add3A_438 : vector<16xi32>
      %mul3A_460 = arith.constant 16 : i32
      %mul3A_461 = arith.muli %scan3A_423, %mul3A_460 : i32
      %add3A_462 = arith.constant 0 : i32
      %add3A_463 = arith.addi %add3A_462, %mul3A_461 : i32
      %swap3A = arith.index_cast %add3A_463 : i32 to index
      %swap3A_464 = tpu.vector_load %arg8[%swap3A] {strides = array<i32>} : memref<2048xi32, #tpu.memory_space<vmem>>, vector<16xi32>,
      tpu.vector_store %arg8[%swap3A], %add3A_459 {strides = array<i32>} : memref<2048xi32, #tpu.memory_space<vmem>>, vector<16xi32>,
      %scan3A_465 = arith.constant 0 : i32
      scf.yield %scan3A_465 : i32
    }
    %scan3A_109 = arith.constant 64 : i32
    %dma_start3A_110 = arith.constant 0 : i32
    %dma_start3A_111 = tpu.memref_slice %arg9[%dma_start3A_110] : memref<2048xf32, #tpu.memory_space<vmem>> -> memref<128xf32, #tpu.memory_space<vmem>>
    %dma_start3A_112 = arith.constant 0 : i32
    %dma_start3A_113 = tpu.memref_slice %arg8[%dma_start3A_112] : memref<2048xi32, #tpu.memory_space<vmem>> -> memref<128xi32, #tpu.memory_space<vmem>>
    %dma_start3A_114 = arith.constant 0 : i32
    %dma_start3A_115 = tpu.memref_slice %arg2[%dma_start3A_114] : memref<134217728xf32, #tpu.memory_space<hbm>> -> memref<134217728xf32, #tpu.memory_space<hbm>>
    tpu.enqueue_indirect_dma source(%dma_start3A_115 : memref<134217728xf32, #tpu.memory_space<hbm>>) target(%dma_start3A_111 : memref<128xf32, #tpu.memory_space<vmem>>) offsets(%dma_start3A_113 : memref<128xi32, #tpu.memory_space<vmem>>) semaphore(%arg10 : memref<!tpu.dma_semaphore, #tpu.memory_space<semaphore_mem>>)
    %dma_start3A_116 = arith.constant 128 : i32
    %dma_start3A_117 = tpu.memref_slice %arg9[%dma_start3A_116] : memref<2048xf32, #tpu.memory_space<vmem>> -> memref<128xf32, #tpu.memory_space<vmem>>
    %dma_start3A_118 = arith.constant 128 : i32
    %dma_start3A_119 = tpu.memref_slice %arg8[%dma_start3A_118] : memref<2048xi32, #tpu.memory_space<vmem>> -> memref<128xi32, #tpu.memory_space<vmem>>
    %dma_start3A_120 = arith.constant 0 : i32
    %dma_start3A_121 = tpu.memref_slice %arg2[%dma_start3A_120] : memref<134217728xf32, #tpu.memory_space<hbm>> -> memref<134217728xf32, #tpu.memory_space<hbm>>
    tpu.enqueue_indirect_dma source(%dma_start3A_121 : memref<134217728xf32, #tpu.memory_space<hbm>>) target(%dma_start3A_117 : memref<128xf32, #tpu.memory_space<vmem>>) offsets(%dma_start3A_119 : memref<128xi32, #tpu.memory_space<vmem>>) semaphore(%arg10 : memref<!tpu.dma_semaphore, #tpu.memory_space<semaphore_mem>>)
    %dma_start3A_122 = arith.constant 256 : i32
    %dma_start3A_123 = tpu.memref_slice %arg9[%dma_start3A_122] : memref<2048xf32, #tpu.memory_space<vmem>> -> memref<128xf32, #tpu.memory_space<vmem>>
    %dma_start3A_124 = arith.constant 256 : i32
    %dma_start3A_125 = tpu.memref_slice %arg8[%dma_start3A_124] : memref<2048xi32, #tpu.memory_space<vmem>> -> memref<128xi32, #tpu.memory_space<vmem>>
    %dma_start3A_126 = arith.constant 0 : i32
    %dma_start3A_127 = tpu.memref_slice %arg2[%dma_start3A_126] : memref<134217728xf32, #tpu.memory_space<hbm>> -> memref<134217728xf32, #tpu.memory_space<hbm>>
    tpu.enqueue_indirect_dma source(%dma_start3A_127 : memref<134217728xf32, #tpu.memory_space<hbm>>) target(%dma_start3A_123 : memref<128xf32, #tpu.memory_space<vmem>>) offsets(%dma_start3A_125 : memref<128xi32, #tpu.memory_space<vmem>>) semaphore(%arg10 : memref<!tpu.dma_semaphore, #tpu.memory_space<semaphore_mem>>)
    %dma_start3A_128 = arith.constant 384 : i32
    %dma_start3A_129 = tpu.memref_slice %arg9[%dma_start3A_128] : memref<2048xf32, #tpu.memory_space<vmem>> -> memref<128xf32, #tpu.memory_space<vmem>>
    %dma_start3A_130 = arith.constant 384 : i32
    %dma_start3A_131 = tpu.memref_slice %arg8[%dma_start3A_130] : memref<2048xi32, #tpu.memory_space<vmem>> -> memref<128xi32, #tpu.memory_space<vmem>>
    %dma_start3A_132 = arith.constant 0 : i32
    %dma_start3A_133 = tpu.memref_slice %arg2[%dma_start3A_132] : memref<134217728xf32, #tpu.memory_space<hbm>> -> memref<134217728xf32, #tpu.memory_space<hbm>>
    tpu.enqueue_indirect_dma source(%dma_start3A_133 : memref<134217728xf32, #tpu.memory_space<hbm>>) target(%dma_start3A_129 : memref<128xf32, #tpu.memory_space<vmem>>) offsets(%dma_start3A_131 : memref<128xi32, #tpu.memory_space<vmem>>) semaphore(%arg10 : memref<!tpu.dma_semaphore, #tpu.memory_space<semaphore_mem>>)
    %dma_start3A_134 = arith.constant 512 : i32
    %dma_start3A_135 = tpu.memref_slice %arg9[%dma_start3A_134] : memref<2048xf32, #tpu.memory_space<vmem>> -> memref<128xf32, #tpu.memory_space<vmem>>
    %dma_start3A_136 = arith.constant 512 : i32
    %dma_start3A_137 = tpu.memref_slice %arg8[%dma_start3A_136] : memref<2048xi32, #tpu.memory_space<vmem>> -> memref<128xi32, #tpu.memory_space<vmem>>
    %dma_start3A_138 = arith.constant 0 : i32
    %dma_start3A_139 = tpu.memref_slice %arg2[%dma_start3A_138] : memref<134217728xf32, #tpu.memory_space<hbm>> -> memref<134217728xf32, #tpu.memory_space<hbm>>
    tpu.enqueue_indirect_dma source(%dma_start3A_139 : memref<134217728xf32, #tpu.memory_space<hbm>>) target(%dma_start3A_135 : memref<128xf32, #tpu.memory_space<vmem>>) offsets(%dma_start3A_137 : memref<128xi32, #tpu.memory_space<vmem>>) semaphore(%arg10 : memref<!tpu.dma_semaphore, #tpu.memory_space<semaphore_mem>>)
    %dma_start3A_140 = arith.constant 640 : i32
    %dma_start3A_141 = tpu.memref_slice %arg9[%dma_start3A_140] : memref<2048xf32, #tpu.memory_space<vmem>> -> memref<128xf32, #tpu.memory_space<vmem>>
    %dma_start3A_142 = arith.constant 640 : i32
    %dma_start3A_143 = tpu.memref_slice %arg8[%dma_start3A_142] : memref<2048xi32, #tpu.memory_space<vmem>> -> memref<128xi32, #tpu.memory_space<vmem>>
    %dma_start3A_144 = arith.constant 0 : i32
    %dma_start3A_145 = tpu.memref_slice %arg2[%dma_start3A_144] : memref<134217728xf32, #tpu.memory_space<hbm>> -> memref<134217728xf32, #tpu.memory_space<hbm>>
    tpu.enqueue_indirect_dma source(%dma_start3A_145 : memref<134217728xf32, #tpu.memory_space<hbm>>) target(%dma_start3A_141 : memref<128xf32, #tpu.memory_space<vmem>>) offsets(%dma_start3A_143 : memref<128xi32, #tpu.memory_space<vmem>>) semaphore(%arg10 : memref<!tpu.dma_semaphore, #tpu.memory_space<semaphore_mem>>)
    %dma_start3A_146 = arith.constant 768 : i32
    %dma_start3A_147 = tpu.memref_slice %arg9[%dma_start3A_146] : memref<2048xf32, #tpu.memory_space<vmem>> -> memref<128xf32, #tpu.memory_space<vmem>>
    %dma_start3A_148 = arith.constant 768 : i32
    %dma_start3A_149 = tpu.memref_slice %arg8[%dma_start3A_148] : memref<2048xi32, #tpu.memory_space<vmem>> -> memref<128xi32, #tpu.memory_space<vmem>>
    %dma_start3A_150 = arith.constant 0 : i32
    %dma_start3A_151 = tpu.memref_slice %arg2[%dma_start3A_150] : memref<134217728xf32, #tpu.memory_space<hbm>> -> memref<134217728xf32, #tpu.memory_space<hbm>>
    tpu.enqueue_indirect_dma source(%dma_start3A_151 : memref<134217728xf32, #tpu.memory_space<hbm>>) target(%dma_start3A_147 : memref<128xf32, #tpu.memory_space<vmem>>) offsets(%dma_start3A_149 : memref<128xi32, #tpu.memory_space<vmem>>) semaphore(%arg10 : memref<!tpu.dma_semaphore, #tpu.memory_space<semaphore_mem>>)
    %dma_start3A_152 = arith.constant 896 : i32
    %dma_start3A_153 = tpu.memref_slice %arg9[%dma_start3A_152] : memref<2048xf32, #tpu.memory_space<vmem>> -> memref<128xf32, #tpu.memory_space<vmem>>
    %dma_start3A_154 = arith.constant 896 : i32
    %dma_start3A_155 = tpu.memref_slice %arg8[%dma_start3A_154] : memref<2048xi32, #tpu.memory_space<vmem>> -> memref<128xi32, #tpu.memory_space<vmem>>
    %dma_start3A_156 = arith.constant 0 : i32
    %dma_start3A_157 = tpu.memref_slice %arg2[%dma_start3A_156] : memref<134217728xf32, #tpu.memory_space<hbm>> -> memref<134217728xf32, #tpu.memory_space<hbm>>
    tpu.enqueue_indirect_dma source(%dma_start3A_157 : memref<134217728xf32, #tpu.memory_space<hbm>>) target(%dma_start3A_153 : memref<128xf32, #tpu.memory_space<vmem>>) offsets(%dma_start3A_155 : memref<128xi32, #tpu.memory_space<vmem>>) semaphore(%arg10 : memref<!tpu.dma_semaphore, #tpu.memory_space<semaphore_mem>>)
    %add3A_158 = arith.constant 1 : i32
    %add3A_159 = arith.addi %mul3A_2, %add3A_158 : i32
    %dma_wait3A_160 = arith.constant 2048 : i32
    %dma_wait3A_161 = tpu.memref_slice %arg6[%dma_wait3A_160] : memref<4096xi32, #tpu.memory_space<vmem>> -> memref<2048xi32, #tpu.memory_space<vmem>>
    %dma_wait3A_162 = arith.constant 0 : i32
    %dma_wait3A_163 = tpu.memref_slice %arg3[%add3A_23, %dma_wait3A_162] : memref<64x2048xi32, #tpu.memory_space<hbm>> -> memref<1x2048xi32, #tpu.memory_space<hbm>>
    %dma_wait3A_164 = tpu.memref_squeeze %dma_wait3A_163 : memref<1x2048xi32, #tpu.memory_space<hbm>> -> memref<2048xi32, #tpu.memory_space<hbm>>
    %dma_wait3A_165 = arith.constant 2048 : i32
    %dma_wait3A_166 = tpu.memref_slice %arg6[%dma_wait3A_165] : memref<4096xi32, #tpu.memory_space<vmem>> -> memref<2048xi32, #tpu.memory_space<vmem>>
    %dma_wait3A_167 = arith.constant 0 : i32
    %dma_wait3A_168 = tpu.memref_slice %arg3[%add3A_23, %dma_wait3A_167] : memref<64x2048xi32, #tpu.memory_space<hbm>> -> memref<1x2048xi32, #tpu.memory_space<hbm>>
    %dma_wait3A_169 = tpu.memref_squeeze %dma_wait3A_168 : memref<1x2048xi32, #tpu.memory_space<hbm>> -> memref<2048xi32, #tpu.memory_space<hbm>>
    tpu.wait_dma2 semaphore(%arg11 : memref<!tpu.dma_semaphore, #tpu.memory_space<semaphore_mem>>) src(%dma_wait3A_169 : memref<2048xi32, #tpu.memory_space<hbm>>) dst(%dma_wait3A_166 : memref<2048xi32, #tpu.memory_space<vmem>>)
    %dma_wait3A_170 = arith.constant 1024 : i32
    %dma_wait3A_171 = tpu.memref_slice %arg7[%dma_wait3A_170] : memref<2048xf32, #tpu.memory_space<vmem>> -> memref<1024xf32, #tpu.memory_space<vmem>>
    %dma_wait3A_172 = tpu.memref_slice %arg4[%mul3A_35] : memref<65536xf32, #tpu.memory_space<hbm>> -> memref<1024xf32, #tpu.memory_space<hbm>>
    %dma_wait3A_173 = arith.constant 1024 : i32
    %dma_wait3A_174 = tpu.memref_slice %arg7[%dma_wait3A_173] : memref<2048xf32, #tpu.memory_space<vmem>> -> memref<1024xf32, #tpu.memory_space<vmem>>
    %dma_wait3A_175 = tpu.memref_slice %arg4[%mul3A_35] : memref<65536xf32, #tpu.memory_space<hbm>> -> memref<1024xf32, #tpu.memory_space<hbm>>
    tpu.wait_dma2 semaphore(%arg11 : memref<!tpu.dma_semaphore, #tpu.memory_space<semaphore_mem>>) src(%dma_wait3A_175 : memref<1024xf32, #tpu.memory_space<hbm>>) dst(%dma_wait3A_174 : memref<1024xf32, #tpu.memory_space<vmem>>)
    %iota3A_176 = tpu.iota {dimensions = array<i32: 0>} : vector<16xi32>
    %broadcast_in_dim3A_177 = arith.constant 2048 : i32
    %broadcast_in_dim3A_178 = vector.broadcast %broadcast_in_dim3A_177 : i32 to vector<16xi32>
    %scan3A_179 = arith.constant 0 : i32
    %scan3A_180 = arith.constant 32 : i32
    %scan3A_181 = arith.addi %scan3A_179, %scan3A_180 : i32
    %scan3A_182 = arith.constant 1 : i32
    %scan3A_183 = scf.for %scan3A_423 = %scan3A_179 to %scan3A_181 step %scan3A_182 iter_args(%scan3A_424 = %broadcast_in_dim3A_178) -> (vector<16xi32>)  : i32 {
      %mul3A_425 = arith.constant 4 : i32
      %mul3A_426 = arith.muli %mul3A_425, %scan3A_423 : i32
      %add3A_427 = arith.constant 0 : i32
      %add3A_428 = arith.addi %mul3A_426, %add3A_427 : i32
      %mul3A_429 = arith.constant 16 : i32
      %mul3A_430 = arith.muli %add3A_428, %mul3A_429 : i32
      %add3A_431 = arith.constant 2048 : i32
      %add3A_432 = arith.addi %add3A_431, %mul3A_430 : i32
      %get3A = arith.index_cast %add3A_432 : i32 to index
      %get3A_433 = tpu.vector_load %arg6[%get3A] {strides = array<i32>} : memref<4096xi32, #tpu.memory_space<vmem>>, vector<16xi32>,
      %eq3A = arith.constant 0 : i32
      %eq3A_434 = vector.broadcast %eq3A : i32 to vector<16xi32>
      %eq3A_435 = arith.cmpi eq, %get3A_433, %eq3A_434 : vector<16xi32>
      %mul3A_436 = arith.constant 4 : i32
      %mul3A_437 = arith.muli %mul3A_436, %scan3A_423 : i32
      %add3A_438 = arith.constant 0 : i32
      %add3A_439 = arith.addi %mul3A_437, %add3A_438 : i32
      %mul3A_440 = arith.constant 16 : i32
      %mul3A_441 = arith.muli %add3A_439, %mul3A_440 : i32
      %add3A_442 = vector.broadcast %mul3A_441 : i32 to vector<16xi32>
      %add3A_443 = arith.addi %add3A_442, %iota3A_176 : vector<16xi32>
      %jit3A = arith.constant 2048 : i32
      %broadcast_in_dim3A_444 = vector.broadcast %jit3A : i32 to vector<16xi32>
      %select_n3A = arith.select %eq3A_435, %add3A_443, %broadcast_in_dim3A_444 : vector<16xi1>, vector<16xi32>
      %min3A_445 = arith.minsi %scan3A_424, %select_n3A : vector<16xi32>
      %mul3A_446 = arith.constant 4 : i32
      %mul3A_447 = arith.muli %mul3A_446, %scan3A_423 : i32
      %add3A_448 = arith.constant 1 : i32
      %add3A_449 = arith.addi %mul3A_447, %add3A_448 : i32
      %mul3A_450 = arith.constant 16 : i32
      %mul3A_451 = arith.muli %add3A_449, %mul3A_450 : i32
      %add3A_452 = arith.constant 2048 : i32
      %add3A_453 = arith.addi %add3A_452, %mul3A_451 : i32
      %get3A_454 = arith.index_cast %add3A_453 : i32 to index
      %get3A_455 = tpu.vector_load %arg6[%get3A_454] {strides = array<i32>} : memref<4096xi32, #tpu.memory_space<vmem>>, vector<16xi32>,
      %eq3A_456 = arith.constant 0 : i32
      %eq3A_457 = vector.broadcast %eq3A_456 : i32 to vector<16xi32>
      %eq3A_458 = arith.cmpi eq, %get3A_455, %eq3A_457 : vector<16xi32>
      %mul3A_459 = arith.constant 4 : i32
      %mul3A_460 = arith.muli %mul3A_459, %scan3A_423 : i32
      %add3A_461 = arith.constant 1 : i32
      %add3A_462 = arith.addi %mul3A_460, %add3A_461 : i32
      %mul3A_463 = arith.constant 16 : i32
      %mul3A_464 = arith.muli %add3A_462, %mul3A_463 : i32
      %add3A_465 = vector.broadcast %mul3A_464 : i32 to vector<16xi32>
      %add3A_466 = arith.addi %add3A_465, %iota3A_176 : vector<16xi32>
      %jit3A_467 = arith.constant 2048 : i32
      %broadcast_in_dim3A_468 = vector.broadcast %jit3A_467 : i32 to vector<16xi32>
      %select_n3A_469 = arith.select %eq3A_458, %add3A_466, %broadcast_in_dim3A_468 : vector<16xi1>, vector<16xi32>
      %min3A_470 = arith.minsi %min3A_445, %select_n3A_469 : vector<16xi32>
      %mul3A_471 = arith.constant 4 : i32
      %mul3A_472 = arith.muli %mul3A_471, %scan3A_423 : i32
      %add3A_473 = arith.constant 2 : i32
      %add3A_474 = arith.addi %mul3A_472, %add3A_473 : i32
      %mul3A_475 = arith.constant 16 : i32
      %mul3A_476 = arith.muli %add3A_474, %mul3A_475 : i32
      %add3A_477 = arith.constant 2048 : i32
      %add3A_478 = arith.addi %add3A_477, %mul3A_476 : i32
      %get3A_479 = arith.index_cast %add3A_478 : i32 to index
      %get3A_480 = tpu.vector_load %arg6[%get3A_479] {strides = array<i32>} : memref<4096xi32, #tpu.memory_space<vmem>>, vector<16xi32>,
      %eq3A_481 = arith.constant 0 : i32
      %eq3A_482 = vector.broadcast %eq3A_481 : i32 to vector<16xi32>
      %eq3A_483 = arith.cmpi eq, %get3A_480, %eq3A_482 : vector<16xi32>
      %mul3A_484 = arith.constant 4 : i32
      %mul3A_485 = arith.muli %mul3A_484, %scan3A_423 : i32
      %add3A_486 = arith.constant 2 : i32
      %add3A_487 = arith.addi %mul3A_485, %add3A_486 : i32
      %mul3A_488 = arith.constant 16 : i32
      %mul3A_489 = arith.muli %add3A_487, %mul3A_488 : i32
      %add3A_490 = vector.broadcast %mul3A_489 : i32 to vector<16xi32>
      %add3A_491 = arith.addi %add3A_490, %iota3A_176 : vector<16xi32>
      %jit3A_492 = arith.constant 2048 : i32
      %broadcast_in_dim3A_493 = vector.broadcast %jit3A_492 : i32 to vector<16xi32>
      %select_n3A_494 = arith.select %eq3A_483, %add3A_491, %broadcast_in_dim3A_493 : vector<16xi1>, vector<16xi32>
      %min3A_495 = arith.minsi %min3A_470, %select_n3A_494 : vector<16xi32>
      %mul3A_496 = arith.constant 4 : i32
      %mul3A_497 = arith.muli %mul3A_496, %scan3A_423 : i32
      %add3A_498 = arith.constant 3 : i32
      %add3A_499 = arith.addi %mul3A_497, %add3A_498 : i32
      %mul3A_500 = arith.constant 16 : i32
      %mul3A_501 = arith.muli %add3A_499, %mul3A_500 : i32
      %add3A_502 = arith.constant 2048 : i32
      %add3A_503 = arith.addi %add3A_502, %mul3A_501 : i32
      %get3A_504 = arith.index_cast %add3A_503 : i32 to index
      %get3A_505 = tpu.vector_load %arg6[%get3A_504] {strides = array<i32>} : memref<4096xi32, #tpu.memory_space<vmem>>, vector<16xi32>,
      %eq3A_506 = arith.constant 0 : i32
      %eq3A_507 = vector.broadcast %eq3A_506 : i32 to vector<16xi32>
      %eq3A_508 = arith.cmpi eq, %get3A_505, %eq3A_507 : vector<16xi32>
      %mul3A_509 = arith.constant 4 : i32
      %mul3A_510 = arith.muli %mul3A_509, %scan3A_423 : i32
      %add3A_511 = arith.constant 3 : i32
      %add3A_512 = arith.addi %mul3A_510, %add3A_511 : i32
      %mul3A_513 = arith.constant 16 : i32
      %mul3A_514 = arith.muli %add3A_512, %mul3A_513 : i32
      %add3A_515 = vector.broadcast %mul3A_514 : i32 to vector<16xi32>
      %add3A_516 = arith.addi %add3A_515, %iota3A_176 : vector<16xi32>
      %jit3A_517 = arith.constant 2048 : i32
      %broadcast_in_dim3A_518 = vector.broadcast %jit3A_517 : i32 to vector<16xi32>
      %select_n3A_519 = arith.select %eq3A_508, %add3A_516, %broadcast_in_dim3A_518 : vector<16xi1>, vector<16xi32>
      %min3A_520 = arith.minsi %min3A_495, %select_n3A_519 : vector<16xi32>
      scf.yield %min3A_520 : vector<16xi32>
    }
    %scan3A_184 = arith.constant 32 : i32
    %iota3A_185 = tpu.iota {dimensions = array<i32: 0>} : vector<16xi32>
    %xor3A_186 = arith.constant 8 : i32
    %xor3A_187 = vector.broadcast %xor3A_186 : i32 to vector<16xi32>
    %xor3A_188 = arith.xori %iota3A_185, %xor3A_187 : vector<16xi32>
    %broadcast_in_dim3A_189 = vector.shape_cast %xor3A_188 : vector<16xi32> to vector<16x1xi32>
    %gather3A_190 = vector.shape_cast %broadcast_in_dim3A_189 : vector<16x1xi32> to vector<16xi32>
    %gather3A_191 = tpu.dynamic_gather %scan3A_183[%gather3A_190] in [0] : vector<16xi32>, vector<16xi32> -> vector<16xi32>
    %min3A_192 = arith.minsi %scan3A_183, %gather3A_191 : vector<16xi32>
    %xor3A_193 = arith.constant 4 : i32
    %xor3A_194 = vector.broadcast %xor3A_193 : i32 to vector<16xi32>
    %xor3A_195 = arith.xori %iota3A_185, %xor3A_194 : vector<16xi32>
    %broadcast_in_dim3A_196 = vector.shape_cast %xor3A_195 : vector<16xi32> to vector<16x1xi32>
    %gather3A_197 = vector.shape_cast %broadcast_in_dim3A_196 : vector<16x1xi32> to vector<16xi32>
    %gather3A_198 = tpu.dynamic_gather %min3A_192[%gather3A_197] in [0] : vector<16xi32>, vector<16xi32> -> vector<16xi32>
    %min3A_199 = arith.minsi %min3A_192, %gather3A_198 : vector<16xi32>
    %xor3A_200 = arith.constant 2 : i32
    %xor3A_201 = vector.broadcast %xor3A_200 : i32 to vector<16xi32>
    %xor3A_202 = arith.xori %iota3A_185, %xor3A_201 : vector<16xi32>
    %broadcast_in_dim3A_203 = vector.shape_cast %xor3A_202 : vector<16xi32> to vector<16x1xi32>
    %gather3A_204 = vector.shape_cast %broadcast_in_dim3A_203 : vector<16x1xi32> to vector<16xi32>
    %gather3A_205 = tpu.dynamic_gather %min3A_199[%gather3A_204] in [0] : vector<16xi32>, vector<16xi32> -> vector<16xi32>
    %min3A_206 = arith.minsi %min3A_199, %gather3A_205 : vector<16xi32>
    %xor3A_207 = arith.constant 1 : i32
    %xor3A_208 = vector.broadcast %xor3A_207 : i32 to vector<16xi32>
    %xor3A_209 = arith.xori %iota3A_185, %xor3A_208 : vector<16xi32>
    %broadcast_in_dim3A_210 = vector.shape_cast %xor3A_209 : vector<16xi32> to vector<16x1xi32>
    %gather3A_211 = vector.shape_cast %broadcast_in_dim3A_210 : vector<16x1xi32> to vector<16xi32>
    %gather3A_212 = tpu.dynamic_gather %min3A_206[%gather3A_211] in [0] : vector<16xi32>, vector<16xi32> -> vector<16xi32>
    %min3A_213 = arith.minsi %min3A_206, %gather3A_212 : vector<16xi32>
    %sub3A_214 = arith.constant 1 : i32
    %sub3A_215 = vector.broadcast %sub3A_214 : i32 to vector<16xi32>
    %sub3A_216 = arith.subi %min3A_213, %sub3A_215 : vector<16xi32>
    %max3A_217 = arith.constant 1 : i32
    %max3A_218 = vector.broadcast %max3A_217 : i32 to vector<16xi32>
    %max3A_219 = arith.maxsi %sub3A_216, %max3A_218 : vector<16xi32>
    %convert_element_type3A_220 = arith.sitofp %max3A_219 : vector<16xi32> to vector<16xf32>
    %sub3A_221 = arith.constant 1 : i32
    %sub3A_222 = vector.broadcast %sub3A_221 : i32 to vector<16xi32>
    %sub3A_223 = arith.subi %max3A_219, %sub3A_222 : vector<16xi32>
    %mul3A_224 = arith.constant 2048 : i32
    %mul3A_225 = arith.muli %add3A_159, %mul3A_224 : i32
    %mul3A_226 = arith.constant 2097152 : i32
    %mul3A_227 = arith.muli %add3A_159, %mul3A_226 : i32
    %scan3A_228 = arith.constant 0 : i32
    %scan3A_229 = arith.constant 0 : i32
    %scan3A_230 = arith.constant 64 : i32
    %scan3A_231 = arith.addi %scan3A_229, %scan3A_230 : i32
    %scan3A_232 = arith.constant 1 : i32
    %scan3A_233 = scf.for %scan3A_423 = %scan3A_229 to %scan3A_231 step %scan3A_232 iter_args(%scan3A_424 = %scan3A_228) -> (i32)  : i32 {
      %mul3A_425 = arith.constant 16 : i32
      %mul3A_426 = arith.muli %scan3A_423, %mul3A_425 : i32
      %add3A_427 = arith.constant 1024 : i32
      %add3A_428 = arith.addi %add3A_427, %mul3A_426 : i32
      %get3A = arith.index_cast %add3A_428 : i32 to index
      %get3A_429 = tpu.vector_load %arg7[%get3A] {strides = array<i32>} : memref<2048xf32, #tpu.memory_space<vmem>>, vector<16xf32>,
      %mul3A_430 = arith.mulf %get3A_429, %convert_element_type3A_220 : vector<16xf32>
      %convert_element_type3A_431 = arith.fptosi %mul3A_430 : vector<16xf32> to vector<16xi32>
      %min3A_432 = arith.minsi %convert_element_type3A_431, %sub3A_223 : vector<16xi32>
      %shift_right_arithmetic3A = arith.constant 3 : i32
      %shift_right_arithmetic3A_433 = arith.shrsi %scan3A_423, %shift_right_arithmetic3A : i32
      %and3A = arith.constant 7 : i32
      %and3A_434 = arith.andi %scan3A_423, %and3A : i32
      %mul3A_435 = arith.constant 16 : i32
      %mul3A_436 = arith.muli %and3A_434, %mul3A_435 : i32
      %add3A_437 = vector.broadcast %mul3A_436 : i32 to vector<16xi32>
      %add3A_438 = arith.addi %add3A_437, %iota3A : vector<16xi32>
      %shift_right_arithmetic3A_439 = arith.constant 3 : i32
      %shift_right_arithmetic3A_440 = vector.broadcast %shift_right_arithmetic3A_439 : i32 to vector<16xi32>
      %shift_right_arithmetic3A_441 = arith.shrsi %min3A_432, %shift_right_arithmetic3A_440 : vector<16xi32>
      %mul3A_442 = arith.constant 8 : i32
      %mul3A_443 = vector.broadcast %mul3A_442 : i32 to vector<16xi32>
      %mul3A_444 = arith.muli %shift_right_arithmetic3A_441, %mul3A_443 : vector<16xi32>
      %add3A_445 = vector.broadcast %shift_right_arithmetic3A_433 : i32 to vector<16xi32>
      %add3A_446 = arith.addi %mul3A_444, %add3A_445 : vector<16xi32>
      %mul3A_447 = arith.constant 1024 : i32
      %mul3A_448 = vector.broadcast %mul3A_447 : i32 to vector<16xi32>
      %mul3A_449 = arith.muli %add3A_446, %mul3A_448 : vector<16xi32>
      %add3A_450 = vector.broadcast %mul3A_227 : i32 to vector<16xi32>
      %add3A_451 = arith.addi %add3A_450, %mul3A_449 : vector<16xi32>
      %and3A_452 = arith.constant 7 : i32
      %and3A_453 = vector.broadcast %and3A_452 : i32 to vector<16xi32>
      %and3A_454 = arith.andi %min3A_432, %and3A_453 : vector<16xi32>
      %mul3A_455 = arith.constant 128 : i32
      %mul3A_456 = vector.broadcast %mul3A_455 : i32 to vector<16xi32>
      %mul3A_457 = arith.muli %and3A_454, %mul3A_456 : vector<16xi32>
      %add3A_458 = arith.addi %add3A_451, %mul3A_457 : vector<16xi32>
      %add3A_459 = arith.addi %add3A_458, %add3A_438 : vector<16xi32>
      %mul3A_460 = arith.constant 16 : i32
      %mul3A_461 = arith.muli %scan3A_423, %mul3A_460 : i32
      %add3A_462 = arith.constant 1024 : i32
      %add3A_463 = arith.addi %add3A_462, %mul3A_461 : i32
      %swap3A = arith.index_cast %add3A_463 : i32 to index
      %swap3A_464 = tpu.vector_load %arg8[%swap3A] {strides = array<i32>} : memref<2048xi32, #tpu.memory_space<vmem>>, vector<16xi32>,
      tpu.vector_store %arg8[%swap3A], %add3A_459 {strides = array<i32>} : memref<2048xi32, #tpu.memory_space<vmem>>, vector<16xi32>,
      %scan3A_465 = arith.constant 0 : i32
      scf.yield %scan3A_465 : i32
    }
    %scan3A_234 = arith.constant 64 : i32
    %dma_start3A_235 = arith.constant 1024 : i32
    %dma_start3A_236 = tpu.memref_slice %arg9[%dma_start3A_235] : memref<2048xf32, #tpu.memory_space<vmem>> -> memref<128xf32, #tpu.memory_space<vmem>>
    %dma_start3A_237 = arith.constant 1024 : i32
    %dma_start3A_238 = tpu.memref_slice %arg8[%dma_start3A_237] : memref<2048xi32, #tpu.memory_space<vmem>> -> memref<128xi32, #tpu.memory_space<vmem>>
    %dma_start3A_239 = arith.constant 0 : i32
    %dma_start3A_240 = tpu.memref_slice %arg2[%dma_start3A_239] : memref<134217728xf32, #tpu.memory_space<hbm>> -> memref<134217728xf32, #tpu.memory_space<hbm>>
    tpu.enqueue_indirect_dma source(%dma_start3A_240 : memref<134217728xf32, #tpu.memory_space<hbm>>) target(%dma_start3A_236 : memref<128xf32, #tpu.memory_space<vmem>>) offsets(%dma_start3A_238 : memref<128xi32, #tpu.memory_space<vmem>>) semaphore(%arg10 : memref<!tpu.dma_semaphore, #tpu.memory_space<semaphore_mem>>)
    %dma_start3A_241 = arith.constant 1152 : i32
    %dma_start3A_242 = tpu.memref_slice %arg9[%dma_start3A_241] : memref<2048xf32, #tpu.memory_space<vmem>> -> memref<128xf32, #tpu.memory_space<vmem>>
    %dma_start3A_243 = arith.constant 1152 : i32
    %dma_start3A_244 = tpu.memref_slice %arg8[%dma_start3A_243] : memref<2048xi32, #tpu.memory_space<vmem>> -> memref<128xi32, #tpu.memory_space<vmem>>
    %dma_start3A_245 = arith.constant 0 : i32
    %dma_start3A_246 = tpu.memref_slice %arg2[%dma_start3A_245] : memref<134217728xf32, #tpu.memory_space<hbm>> -> memref<134217728xf32, #tpu.memory_space<hbm>>
    tpu.enqueue_indirect_dma source(%dma_start3A_246 : memref<134217728xf32, #tpu.memory_space<hbm>>) target(%dma_start3A_242 : memref<128xf32, #tpu.memory_space<vmem>>) offsets(%dma_start3A_244 : memref<128xi32, #tpu.memory_space<vmem>>) semaphore(%arg10 : memref<!tpu.dma_semaphore, #tpu.memory_space<semaphore_mem>>)
    %dma_start3A_247 = arith.constant 1280 : i32
    %dma_start3A_248 = tpu.memref_slice %arg9[%dma_start3A_247] : memref<2048xf32, #tpu.memory_space<vmem>> -> memref<128xf32, #tpu.memory_space<vmem>>
    %dma_start3A_249 = arith.constant 1280 : i32
    %dma_start3A_250 = tpu.memref_slice %arg8[%dma_start3A_249] : memref<2048xi32, #tpu.memory_space<vmem>> -> memref<128xi32, #tpu.memory_space<vmem>>
    %dma_start3A_251 = arith.constant 0 : i32
    %dma_start3A_252 = tpu.memref_slice %arg2[%dma_start3A_251] : memref<134217728xf32, #tpu.memory_space<hbm>> -> memref<134217728xf32, #tpu.memory_space<hbm>>
    tpu.enqueue_indirect_dma source(%dma_start3A_252 : memref<134217728xf32, #tpu.memory_space<hbm>>) target(%dma_start3A_248 : memref<128xf32, #tpu.memory_space<vmem>>) offsets(%dma_start3A_250 : memref<128xi32, #tpu.memory_space<vmem>>) semaphore(%arg10 : memref<!tpu.dma_semaphore, #tpu.memory_space<semaphore_mem>>)
    %dma_start3A_253 = arith.constant 1408 : i32
    %dma_start3A_254 = tpu.memref_slice %arg9[%dma_start3A_253] : memref<2048xf32, #tpu.memory_space<vmem>> -> memref<128xf32, #tpu.memory_space<vmem>>
    %dma_start3A_255 = arith.constant 1408 : i32
    %dma_start3A_256 = tpu.memref_slice %arg8[%dma_start3A_255] : memref<2048xi32, #tpu.memory_space<vmem>> -> memref<128xi32, #tpu.memory_space<vmem>>
    %dma_start3A_257 = arith.constant 0 : i32
    %dma_start3A_258 = tpu.memref_slice %arg2[%dma_start3A_257] : memref<134217728xf32, #tpu.memory_space<hbm>> -> memref<134217728xf32, #tpu.memory_space<hbm>>
    tpu.enqueue_indirect_dma source(%dma_start3A_258 : memref<134217728xf32, #tpu.memory_space<hbm>>) target(%dma_start3A_254 : memref<128xf32, #tpu.memory_space<vmem>>) offsets(%dma_start3A_256 : memref<128xi32, #tpu.memory_space<vmem>>) semaphore(%arg10 : memref<!tpu.dma_semaphore, #tpu.memory_space<semaphore_mem>>)
    %dma_start3A_259 = arith.constant 1536 : i32
    %dma_start3A_260 = tpu.memref_slice %arg9[%dma_start3A_259] : memref<2048xf32, #tpu.memory_space<vmem>> -> memref<128xf32, #tpu.memory_space<vmem>>
    %dma_start3A_261 = arith.constant 1536 : i32
    %dma_start3A_262 = tpu.memref_slice %arg8[%dma_start3A_261] : memref<2048xi32, #tpu.memory_space<vmem>> -> memref<128xi32, #tpu.memory_space<vmem>>
    %dma_start3A_263 = arith.constant 0 : i32
    %dma_start3A_264 = tpu.memref_slice %arg2[%dma_start3A_263] : memref<134217728xf32, #tpu.memory_space<hbm>> -> memref<134217728xf32, #tpu.memory_space<hbm>>
    tpu.enqueue_indirect_dma source(%dma_start3A_264 : memref<134217728xf32, #tpu.memory_space<hbm>>) target(%dma_start3A_260 : memref<128xf32, #tpu.memory_space<vmem>>) offsets(%dma_start3A_262 : memref<128xi32, #tpu.memory_space<vmem>>) semaphore(%arg10 : memref<!tpu.dma_semaphore, #tpu.memory_space<semaphore_mem>>)
    %dma_start3A_265 = arith.constant 1664 : i32
    %dma_start3A_266 = tpu.memref_slice %arg9[%dma_start3A_265] : memref<2048xf32, #tpu.memory_space<vmem>> -> memref<128xf32, #tpu.memory_space<vmem>>
    %dma_start3A_267 = arith.constant 1664 : i32
    %dma_start3A_268 = tpu.memref_slice %arg8[%dma_start3A_267] : memref<2048xi32, #tpu.memory_space<vmem>> -> memref<128xi32, #tpu.memory_space<vmem>>
    %dma_start3A_269 = arith.constant 0 : i32
    %dma_start3A_270 = tpu.memref_slice %arg2[%dma_start3A_269] : memref<134217728xf32, #tpu.memory_space<hbm>> -> memref<134217728xf32, #tpu.memory_space<hbm>>
    tpu.enqueue_indirect_dma source(%dma_start3A_270 : memref<134217728xf32, #tpu.memory_space<hbm>>) target(%dma_start3A_266 : memref<128xf32, #tpu.memory_space<vmem>>) offsets(%dma_start3A_268 : memref<128xi32, #tpu.memory_space<vmem>>) semaphore(%arg10 : memref<!tpu.dma_semaphore, #tpu.memory_space<semaphore_mem>>)
    %dma_start3A_271 = arith.constant 1792 : i32
    %dma_start3A_272 = tpu.memref_slice %arg9[%dma_start3A_271] : memref<2048xf32, #tpu.memory_space<vmem>> -> memref<128xf32, #tpu.memory_space<vmem>>
    %dma_start3A_273 = arith.constant 1792 : i32
    %dma_start3A_274 = tpu.memref_slice %arg8[%dma_start3A_273] : memref<2048xi32, #tpu.memory_space<vmem>> -> memref<128xi32, #tpu.memory_space<vmem>>
    %dma_start3A_275 = arith.constant 0 : i32
    %dma_start3A_276 = tpu.memref_slice %arg2[%dma_start3A_275] : memref<134217728xf32, #tpu.memory_space<hbm>> -> memref<134217728xf32, #tpu.memory_space<hbm>>
    tpu.enqueue_indirect_dma source(%dma_start3A_276 : memref<134217728xf32, #tpu.memory_space<hbm>>) target(%dma_start3A_272 : memref<128xf32, #tpu.memory_space<vmem>>) offsets(%dma_start3A_274 : memref<128xi32, #tpu.memory_space<vmem>>) semaphore(%arg10 : memref<!tpu.dma_semaphore, #tpu.memory_space<semaphore_mem>>)
    %dma_start3A_277 = arith.constant 1920 : i32
    %dma_start3A_278 = tpu.memref_slice %arg9[%dma_start3A_277] : memref<2048xf32, #tpu.memory_space<vmem>> -> memref<128xf32, #tpu.memory_space<vmem>>
    %dma_start3A_279 = arith.constant 1920 : i32
    %dma_start3A_280 = tpu.memref_slice %arg8[%dma_start3A_279] : memref<2048xi32, #tpu.memory_space<vmem>> -> memref<128xi32, #tpu.memory_space<vmem>>
    %dma_start3A_281 = arith.constant 0 : i32
    %dma_start3A_282 = tpu.memref_slice %arg2[%dma_start3A_281] : memref<134217728xf32, #tpu.memory_space<hbm>> -> memref<134217728xf32, #tpu.memory_space<hbm>>
    tpu.enqueue_indirect_dma source(%dma_start3A_282 : memref<134217728xf32, #tpu.memory_space<hbm>>) target(%dma_start3A_278 : memref<128xf32, #tpu.memory_space<vmem>>) offsets(%dma_start3A_280 : memref<128xi32, #tpu.memory_space<vmem>>) semaphore(%arg10 : memref<!tpu.dma_semaphore, #tpu.memory_space<semaphore_mem>>)
    %dma_wait3A_283 = arith.constant 0 : i32
    %dma_wait3A_284 = tpu.memref_slice %arg9[%dma_wait3A_283] : memref<2048xf32, #tpu.memory_space<vmem>> -> memref<128xf32, #tpu.memory_space<vmem>>
    %dma_wait3A_285 = arith.constant 0 : i32
    %dma_wait3A_286 = tpu.memref_slice %arg8[%dma_wait3A_285] : memref<2048xi32, #tpu.memory_space<vmem>> -> memref<128xi32, #tpu.memory_space<vmem>>
    %dma_wait3A_287 = arith.constant 0 : i32
    %dma_wait3A_288 = tpu.memref_slice %arg2[%dma_wait3A_287] : memref<134217728xf32, #tpu.memory_space<hbm>> -> memref<134217728xf32, #tpu.memory_space<hbm>>
    tpu.wait_indirect_dma semaphore(%arg10 : memref<!tpu.dma_semaphore, #tpu.memory_space<semaphore_mem>>) src(%dma_wait3A_288 : memref<134217728xf32, #tpu.memory_space<hbm>>) dst(%dma_wait3A_284 : memref<128xf32, #tpu.memory_space<vmem>>)
    %dma_wait3A_289 = arith.constant 128 : i32
    %dma_wait3A_290 = tpu.memref_slice %arg9[%dma_wait3A_289] : memref<2048xf32, #tpu.memory_space<vmem>> -> memref<128xf32, #tpu.memory_space<vmem>>
    %dma_wait3A_291 = arith.constant 128 : i32
    %dma_wait3A_292 = tpu.memref_slice %arg8[%dma_wait3A_291] : memref<2048xi32, #tpu.memory_space<vmem>> -> memref<128xi32, #tpu.memory_space<vmem>>
    %dma_wait3A_293 = arith.constant 0 : i32
    %dma_wait3A_294 = tpu.memref_slice %arg2[%dma_wait3A_293] : memref<134217728xf32, #tpu.memory_space<hbm>> -> memref<134217728xf32, #tpu.memory_space<hbm>>
    tpu.wait_indirect_dma semaphore(%arg10 : memref<!tpu.dma_semaphore, #tpu.memory_space<semaphore_mem>>) src(%dma_wait3A_294 : memref<134217728xf32, #tpu.memory_space<hbm>>) dst(%dma_wait3A_290 : memref<128xf32, #tpu.memory_space<vmem>>)
    %dma_wait3A_295 = arith.constant 256 : i32
    %dma_wait3A_296 = tpu.memref_slice %arg9[%dma_wait3A_295] : memref<2048xf32, #tpu.memory_space<vmem>> -> memref<128xf32, #tpu.memory_space<vmem>>
    %dma_wait3A_297 = arith.constant 256 : i32
    %dma_wait3A_298 = tpu.memref_slice %arg8[%dma_wait3A_297] : memref<2048xi32, #tpu.memory_space<vmem>> -> memref<128xi32, #tpu.memory_space<vmem>>
    %dma_wait3A_299 = arith.constant 0 : i32
    %dma_wait3A_300 = tpu.memref_slice %arg2[%dma_wait3A_299] : memref<134217728xf32, #tpu.memory_space<hbm>> -> memref<134217728xf32, #tpu.memory_space<hbm>>
    tpu.wait_indirect_dma semaphore(%arg10 : memref<!tpu.dma_semaphore, #tpu.memory_space<semaphore_mem>>) src(%dma_wait3A_300 : memref<134217728xf32, #tpu.memory_space<hbm>>) dst(%dma_wait3A_296 : memref<128xf32, #tpu.memory_space<vmem>>)
    %dma_wait3A_301 = arith.constant 384 : i32
    %dma_wait3A_302 = tpu.memref_slice %arg9[%dma_wait3A_301] : memref<2048xf32, #tpu.memory_space<vmem>> -> memref<128xf32, #tpu.memory_space<vmem>>
    %dma_wait3A_303 = arith.constant 384 : i32
    %dma_wait3A_304 = tpu.memref_slice %arg8[%dma_wait3A_303] : memref<2048xi32, #tpu.memory_space<vmem>> -> memref<128xi32, #tpu.memory_space<vmem>>
    %dma_wait3A_305 = arith.constant 0 : i32
    %dma_wait3A_306 = tpu.memref_slice %arg2[%dma_wait3A_305] : memref<134217728xf32, #tpu.memory_space<hbm>> -> memref<134217728xf32, #tpu.memory_space<hbm>>
    tpu.wait_indirect_dma semaphore(%arg10 : memref<!tpu.dma_semaphore, #tpu.memory_space<semaphore_mem>>) src(%dma_wait3A_306 : memref<134217728xf32, #tpu.memory_space<hbm>>) dst(%dma_wait3A_302 : memref<128xf32, #tpu.memory_space<vmem>>)
    %dma_wait3A_307 = arith.constant 512 : i32
    %dma_wait3A_308 = tpu.memref_slice %arg9[%dma_wait3A_307] : memref<2048xf32, #tpu.memory_space<vmem>> -> memref<128xf32, #tpu.memory_space<vmem>>
    %dma_wait3A_309 = arith.constant 512 : i32
    %dma_wait3A_310 = tpu.memref_slice %arg8[%dma_wait3A_309] : memref<2048xi32, #tpu.memory_space<vmem>> -> memref<128xi32, #tpu.memory_space<vmem>>
    %dma_wait3A_311 = arith.constant 0 : i32
    %dma_wait3A_312 = tpu.memref_slice %arg2[%dma_wait3A_311] : memref<134217728xf32, #tpu.memory_space<hbm>> -> memref<134217728xf32, #tpu.memory_space<hbm>>
    tpu.wait_indirect_dma semaphore(%arg10 : memref<!tpu.dma_semaphore, #tpu.memory_space<semaphore_mem>>) src(%dma_wait3A_312 : memref<134217728xf32, #tpu.memory_space<hbm>>) dst(%dma_wait3A_308 : memref<128xf32, #tpu.memory_space<vmem>>)
    %dma_wait3A_313 = arith.constant 640 : i32
    %dma_wait3A_314 = tpu.memref_slice %arg9[%dma_wait3A_313] : memref<2048xf32, #tpu.memory_space<vmem>> -> memref<128xf32, #tpu.memory_space<vmem>>
    %dma_wait3A_315 = arith.constant 640 : i32
    %dma_wait3A_316 = tpu.memref_slice %arg8[%dma_wait3A_315] : memref<2048xi32, #tpu.memory_space<vmem>> -> memref<128xi32, #tpu.memory_space<vmem>>
    %dma_wait3A_317 = arith.constant 0 : i32
    %dma_wait3A_318 = tpu.memref_slice %arg2[%dma_wait3A_317] : memref<134217728xf32, #tpu.memory_space<hbm>> -> memref<134217728xf32, #tpu.memory_space<hbm>>
    tpu.wait_indirect_dma semaphore(%arg10 : memref<!tpu.dma_semaphore, #tpu.memory_space<semaphore_mem>>) src(%dma_wait3A_318 : memref<134217728xf32, #tpu.memory_space<hbm>>) dst(%dma_wait3A_314 : memref<128xf32, #tpu.memory_space<vmem>>)
    %dma_wait3A_319 = arith.constant 768 : i32
    %dma_wait3A_320 = tpu.memref_slice %arg9[%dma_wait3A_319] : memref<2048xf32, #tpu.memory_space<vmem>> -> memref<128xf32, #tpu.memory_space<vmem>>
    %dma_wait3A_321 = arith.constant 768 : i32
    %dma_wait3A_322 = tpu.memref_slice %arg8[%dma_wait3A_321] : memref<2048xi32, #tpu.memory_space<vmem>> -> memref<128xi32, #tpu.memory_space<vmem>>
    %dma_wait3A_323 = arith.constant 0 : i32
    %dma_wait3A_324 = tpu.memref_slice %arg2[%dma_wait3A_323] : memref<134217728xf32, #tpu.memory_space<hbm>> -> memref<134217728xf32, #tpu.memory_space<hbm>>
    tpu.wait_indirect_dma semaphore(%arg10 : memref<!tpu.dma_semaphore, #tpu.memory_space<semaphore_mem>>) src(%dma_wait3A_324 : memref<134217728xf32, #tpu.memory_space<hbm>>) dst(%dma_wait3A_320 : memref<128xf32, #tpu.memory_space<vmem>>)
    %dma_wait3A_325 = arith.constant 896 : i32
    %dma_wait3A_326 = tpu.memref_slice %arg9[%dma_wait3A_325] : memref<2048xf32, #tpu.memory_space<vmem>> -> memref<128xf32, #tpu.memory_space<vmem>>
    %dma_wait3A_327 = arith.constant 896 : i32
    %dma_wait3A_328 = tpu.memref_slice %arg8[%dma_wait3A_327] : memref<2048xi32, #tpu.memory_space<vmem>> -> memref<128xi32, #tpu.memory_space<vmem>>
    %dma_wait3A_329 = arith.constant 0 : i32
    %dma_wait3A_330 = tpu.memref_slice %arg2[%dma_wait3A_329] : memref<134217728xf32, #tpu.memory_space<hbm>> -> memref<134217728xf32, #tpu.memory_space<hbm>>
    tpu.wait_indirect_dma semaphore(%arg10 : memref<!tpu.dma_semaphore, #tpu.memory_space<semaphore_mem>>) src(%dma_wait3A_330 : memref<134217728xf32, #tpu.memory_space<hbm>>) dst(%dma_wait3A_326 : memref<128xf32, #tpu.memory_space<vmem>>)
    %add3A_331 = arith.constant 0 : i32
    %add3A_332 = arith.addi %mul3A_2, %add3A_331 : i32
    %dma_start3A_333 = arith.constant 0 : i32
    %dma_start3A_334 = tpu.memref_slice %arg9[%dma_start3A_333] : memref<2048xf32, #tpu.memory_space<vmem>> -> memref<1024xf32, #tpu.memory_space<vmem>>
    %dma_start3A_335 = arith.constant 0 : i32
    %dma_start3A_336 = tpu.memref_slice %arg5[%add3A_332, %dma_start3A_335] : memref<64x1024xf32, #tpu.memory_space<hbm>> -> memref<1x1024xf32, #tpu.memory_space<hbm>>
    %dma_start3A_337 = tpu.memref_squeeze %dma_start3A_336 : memref<1x1024xf32, #tpu.memory_space<hbm>> -> memref<1024xf32, #tpu.memory_space<hbm>>
    %dma_start3A_338 = arith.constant 0 : i32
    %dma_start3A_339 = tpu.memref_slice %arg5[%add3A_332, %dma_start3A_338] : memref<64x1024xf32, #tpu.memory_space<hbm>> -> memref<1x1024xf32, #tpu.memory_space<hbm>>
    %dma_start3A_340 = tpu.memref_squeeze %dma_start3A_339 : memref<1x1024xf32, #tpu.memory_space<hbm>> -> memref<1024xf32, #tpu.memory_space<hbm>>
    %dma_start3A_341 = arith.constant 0 : i32
    %dma_start3A_342 = tpu.memref_slice %arg9[%dma_start3A_341] : memref<2048xf32, #tpu.memory_space<vmem>> -> memref<1024xf32, #tpu.memory_space<vmem>>
    tpu.enqueue_dma source(%dma_start3A_342 : memref<1024xf32, #tpu.memory_space<vmem>>) target(%dma_start3A_340 : memref<1024xf32, #tpu.memory_space<hbm>>) target_semaphore(%arg11 : memref<!tpu.dma_semaphore, #tpu.memory_space<semaphore_mem>>)
    %dma_wait3A_343 = arith.constant 1024 : i32
    %dma_wait3A_344 = tpu.memref_slice %arg9[%dma_wait3A_343] : memref<2048xf32, #tpu.memory_space<vmem>> -> memref<128xf32, #tpu.memory_space<vmem>>
    %dma_wait3A_345 = arith.constant 1024 : i32
    %dma_wait3A_346 = tpu.memref_slice %arg8[%dma_wait3A_345] : memref<2048xi32, #tpu.memory_space<vmem>> -> memref<128xi32, #tpu.memory_space<vmem>>
    %dma_wait3A_347 = arith.constant 0 : i32
    %dma_wait3A_348 = tpu.memref_slice %arg2[%dma_wait3A_347] : memref<134217728xf32, #tpu.memory_space<hbm>> -> memref<134217728xf32, #tpu.memory_space<hbm>>
    tpu.wait_indirect_dma semaphore(%arg10 : memref<!tpu.dma_semaphore, #tpu.memory_space<semaphore_mem>>) src(%dma_wait3A_348 : memref<134217728xf32, #tpu.memory_space<hbm>>) dst(%dma_wait3A_344 : memref<128xf32, #tpu.memory_space<vmem>>)
    %dma_wait3A_349 = arith.constant 1152 : i32
    %dma_wait3A_350 = tpu.memref_slice %arg9[%dma_wait3A_349] : memref<2048xf32, #tpu.memory_space<vmem>> -> memref<128xf32, #tpu.memory_space<vmem>>
    %dma_wait3A_351 = arith.constant 1152 : i32
    %dma_wait3A_352 = tpu.memref_slice %arg8[%dma_wait3A_351] : memref<2048xi32, #tpu.memory_space<vmem>> -> memref<128xi32, #tpu.memory_space<vmem>>
    %dma_wait3A_353 = arith.constant 0 : i32
    %dma_wait3A_354 = tpu.memref_slice %arg2[%dma_wait3A_353] : memref<134217728xf32, #tpu.memory_space<hbm>> -> memref<134217728xf32, #tpu.memory_space<hbm>>
    tpu.wait_indirect_dma semaphore(%arg10 : memref<!tpu.dma_semaphore, #tpu.memory_space<semaphore_mem>>) src(%dma_wait3A_354 : memref<134217728xf32, #tpu.memory_space<hbm>>) dst(%dma_wait3A_350 : memref<128xf32, #tpu.memory_space<vmem>>)
    %dma_wait3A_355 = arith.constant 1280 : i32
    %dma_wait3A_356 = tpu.memref_slice %arg9[%dma_wait3A_355] : memref<2048xf32, #tpu.memory_space<vmem>> -> memref<128xf32, #tpu.memory_space<vmem>>
    %dma_wait3A_357 = arith.constant 1280 : i32
    %dma_wait3A_358 = tpu.memref_slice %arg8[%dma_wait3A_357] : memref<2048xi32, #tpu.memory_space<vmem>> -> memref<128xi32, #tpu.memory_space<vmem>>
    %dma_wait3A_359 = arith.constant 0 : i32
    %dma_wait3A_360 = tpu.memref_slice %arg2[%dma_wait3A_359] : memref<134217728xf32, #tpu.memory_space<hbm>> -> memref<134217728xf32, #tpu.memory_space<hbm>>
    tpu.wait_indirect_dma semaphore(%arg10 : memref<!tpu.dma_semaphore, #tpu.memory_space<semaphore_mem>>) src(%dma_wait3A_360 : memref<134217728xf32, #tpu.memory_space<hbm>>) dst(%dma_wait3A_356 : memref<128xf32, #tpu.memory_space<vmem>>)
    %dma_wait3A_361 = arith.constant 1408 : i32
    %dma_wait3A_362 = tpu.memref_slice %arg9[%dma_wait3A_361] : memref<2048xf32, #tpu.memory_space<vmem>> -> memref<128xf32, #tpu.memory_space<vmem>>
    %dma_wait3A_363 = arith.constant 1408 : i32
    %dma_wait3A_364 = tpu.memref_slice %arg8[%dma_wait3A_363] : memref<2048xi32, #tpu.memory_space<vmem>> -> memref<128xi32, #tpu.memory_space<vmem>>
    %dma_wait3A_365 = arith.constant 0 : i32
    %dma_wait3A_366 = tpu.memref_slice %arg2[%dma_wait3A_365] : memref<134217728xf32, #tpu.memory_space<hbm>> -> memref<134217728xf32, #tpu.memory_space<hbm>>
    tpu.wait_indirect_dma semaphore(%arg10 : memref<!tpu.dma_semaphore, #tpu.memory_space<semaphore_mem>>) src(%dma_wait3A_366 : memref<134217728xf32, #tpu.memory_space<hbm>>) dst(%dma_wait3A_362 : memref<128xf32, #tpu.memory_space<vmem>>)
    %dma_wait3A_367 = arith.constant 1536 : i32
    %dma_wait3A_368 = tpu.memref_slice %arg9[%dma_wait3A_367] : memref<2048xf32, #tpu.memory_space<vmem>> -> memref<128xf32, #tpu.memory_space<vmem>>
    %dma_wait3A_369 = arith.constant 1536 : i32
    %dma_wait3A_370 = tpu.memref_slice %arg8[%dma_wait3A_369] : memref<2048xi32, #tpu.memory_space<vmem>> -> memref<128xi32, #tpu.memory_space<vmem>>
    %dma_wait3A_371 = arith.constant 0 : i32
    %dma_wait3A_372 = tpu.memref_slice %arg2[%dma_wait3A_371] : memref<134217728xf32, #tpu.memory_space<hbm>> -> memref<134217728xf32, #tpu.memory_space<hbm>>
    tpu.wait_indirect_dma semaphore(%arg10 : memref<!tpu.dma_semaphore, #tpu.memory_space<semaphore_mem>>) src(%dma_wait3A_372 : memref<134217728xf32, #tpu.memory_space<hbm>>) dst(%dma_wait3A_368 : memref<128xf32, #tpu.memory_space<vmem>>)
    %dma_wait3A_373 = arith.constant 1664 : i32
    %dma_wait3A_374 = tpu.memref_slice %arg9[%dma_wait3A_373] : memref<2048xf32, #tpu.memory_space<vmem>> -> memref<128xf32, #tpu.memory_space<vmem>>
    %dma_wait3A_375 = arith.constant 1664 : i32
    %dma_wait3A_376 = tpu.memref_slice %arg8[%dma_wait3A_375] : memref<2048xi32, #tpu.memory_space<vmem>> -> memref<128xi32, #tpu.memory_space<vmem>>
    %dma_wait3A_377 = arith.constant 0 : i32
    %dma_wait3A_378 = tpu.memref_slice %arg2[%dma_wait3A_377] : memref<134217728xf32, #tpu.memory_space<hbm>> -> memref<134217728xf32, #tpu.memory_space<hbm>>
    tpu.wait_indirect_dma semaphore(%arg10 : memref<!tpu.dma_semaphore, #tpu.memory_space<semaphore_mem>>) src(%dma_wait3A_378 : memref<134217728xf32, #tpu.memory_space<hbm>>) dst(%dma_wait3A_374 : memref<128xf32, #tpu.memory_space<vmem>>)
    %dma_wait3A_379 = arith.constant 1792 : i32
    %dma_wait3A_380 = tpu.memref_slice %arg9[%dma_wait3A_379] : memref<2048xf32, #tpu.memory_space<vmem>> -> memref<128xf32, #tpu.memory_space<vmem>>
    %dma_wait3A_381 = arith.constant 1792 : i32
    %dma_wait3A_382 = tpu.memref_slice %arg8[%dma_wait3A_381] : memref<2048xi32, #tpu.memory_space<vmem>> -> memref<128xi32, #tpu.memory_space<vmem>>
    %dma_wait3A_383 = arith.constant 0 : i32
    %dma_wait3A_384 = tpu.memref_slice %arg2[%dma_wait3A_383] : memref<134217728xf32, #tpu.memory_space<hbm>> -> memref<134217728xf32, #tpu.memory_space<hbm>>
    tpu.wait_indirect_dma semaphore(%arg10 : memref<!tpu.dma_semaphore, #tpu.memory_space<semaphore_mem>>) src(%dma_wait3A_384 : memref<134217728xf32, #tpu.memory_space<hbm>>) dst(%dma_wait3A_380 : memref<128xf32, #tpu.memory_space<vmem>>)
    %dma_wait3A_385 = arith.constant 1920 : i32
    %dma_wait3A_386 = tpu.memref_slice %arg9[%dma_wait3A_385] : memref<2048xf32, #tpu.memory_space<vmem>> -> memref<128xf32, #tpu.memory_space<vmem>>
    %dma_wait3A_387 = arith.constant 1920 : i32
    %dma_wait3A_388 = tpu.memref_slice %arg8[%dma_wait3A_387] : memref<2048xi32, #tpu.memory_space<vmem>> -> memref<128xi32, #tpu.memory_space<vmem>>
    %dma_wait3A_389 = arith.constant 0 : i32
    %dma_wait3A_390 = tpu.memref_slice %arg2[%dma_wait3A_389] : memref<134217728xf32, #tpu.memory_space<hbm>> -> memref<134217728xf32, #tpu.memory_space<hbm>>
    tpu.wait_indirect_dma semaphore(%arg10 : memref<!tpu.dma_semaphore, #tpu.memory_space<semaphore_mem>>) src(%dma_wait3A_390 : memref<134217728xf32, #tpu.memory_space<hbm>>) dst(%dma_wait3A_386 : memref<128xf32, #tpu.memory_space<vmem>>)
    %add3A_391 = arith.constant 1 : i32
    %add3A_392 = arith.addi %mul3A_2, %add3A_391 : i32
    %dma_start3A_393 = arith.constant 1024 : i32
    %dma_start3A_394 = tpu.memref_slice %arg9[%dma_start3A_393] : memref<2048xf32, #tpu.memory_space<vmem>> -> memref<1024xf32, #tpu.memory_space<vmem>>
    %dma_start3A_395 = arith.constant 0 : i32
    %dma_start3A_396 = tpu.memref_slice %arg5[%add3A_392, %dma_start3A_395] : memref<64x1024xf32, #tpu.memory_space<hbm>> -> memref<1x1024xf32, #tpu.memory_space<hbm>>
    %dma_start3A_397 = tpu.memref_squeeze %dma_start3A_396 : memref<1x1024xf32, #tpu.memory_space<hbm>> -> memref<1024xf32, #tpu.memory_space<hbm>>
    %dma_start3A_398 = arith.constant 0 : i32
    %dma_start3A_399 = tpu.memref_slice %arg5[%add3A_392, %dma_start3A_398] : memref<64x1024xf32, #tpu.memory_space<hbm>> -> memref<1x1024xf32, #tpu.memory_space<hbm>>
    %dma_start3A_400 = tpu.memref_squeeze %dma_start3A_399 : memref<1x1024xf32, #tpu.memory_space<hbm>> -> memref<1024xf32, #tpu.memory_space<hbm>>
    %dma_start3A_401 = arith.constant 1024 : i32
    %dma_start3A_402 = tpu.memref_slice %arg9[%dma_start3A_401] : memref<2048xf32, #tpu.memory_space<vmem>> -> memref<1024xf32, #tpu.memory_space<vmem>>
    tpu.enqueue_dma source(%dma_start3A_402 : memref<1024xf32, #tpu.memory_space<vmem>>) target(%dma_start3A_400 : memref<1024xf32, #tpu.memory_space<hbm>>) target_semaphore(%arg11 : memref<!tpu.dma_semaphore, #tpu.memory_space<semaphore_mem>>)
    %dma_wait3A_403 = arith.constant 0 : i32
    %dma_wait3A_404 = tpu.memref_slice %arg9[%dma_wait3A_403] : memref<2048xf32, #tpu.memory_space<vmem>> -> memref<1024xf32, #tpu.memory_space<vmem>>
    %dma_wait3A_405 = arith.constant 0 : i32
    %dma_wait3A_406 = tpu.memref_slice %arg5[%add3A_332, %dma_wait3A_405] : memref<64x1024xf32, #tpu.memory_space<hbm>> -> memref<1x1024xf32, #tpu.memory_space<hbm>>
    %dma_wait3A_407 = tpu.memref_squeeze %dma_wait3A_406 : memref<1x1024xf32, #tpu.memory_space<hbm>> -> memref<1024xf32, #tpu.memory_space<hbm>>
    %dma_wait3A_408 = arith.constant 0 : i32
    %dma_wait3A_409 = tpu.memref_slice %arg5[%add3A_332, %dma_wait3A_408] : memref<64x1024xf32, #tpu.memory_space<hbm>> -> memref<1x1024xf32, #tpu.memory_space<hbm>>
    %dma_wait3A_410 = tpu.memref_squeeze %dma_wait3A_409 : memref<1x1024xf32, #tpu.memory_space<hbm>> -> memref<1024xf32, #tpu.memory_space<hbm>>
    %dma_wait3A_411 = arith.constant 0 : i32
    %dma_wait3A_412 = tpu.memref_slice %arg9[%dma_wait3A_411] : memref<2048xf32, #tpu.memory_space<vmem>> -> memref<1024xf32, #tpu.memory_space<vmem>>
    tpu.wait_dma2 semaphore(%arg11 : memref<!tpu.dma_semaphore, #tpu.memory_space<semaphore_mem>>) src(%dma_wait3A_412 : memref<1024xf32, #tpu.memory_space<vmem>>) dst(%dma_wait3A_410 : memref<1024xf32, #tpu.memory_space<hbm>>)
    %dma_wait3A_413 = arith.constant 1024 : i32
    %dma_wait3A_414 = tpu.memref_slice %arg9[%dma_wait3A_413] : memref<2048xf32, #tpu.memory_space<vmem>> -> memref<1024xf32, #tpu.memory_space<vmem>>
    %dma_wait3A_415 = arith.constant 0 : i32
    %dma_wait3A_416 = tpu.memref_slice %arg5[%add3A_392, %dma_wait3A_415] : memref<64x1024xf32, #tpu.memory_space<hbm>> -> memref<1x1024xf32, #tpu.memory_space<hbm>>
    %dma_wait3A_417 = tpu.memref_squeeze %dma_wait3A_416 : memref<1x1024xf32, #tpu.memory_space<hbm>> -> memref<1024xf32, #tpu.memory_space<hbm>>
    %dma_wait3A_418 = arith.constant 0 : i32
    %dma_wait3A_419 = tpu.memref_slice %arg5[%add3A_392, %dma_wait3A_418] : memref<64x1024xf32, #tpu.memory_space<hbm>> -> memref<1x1024xf32, #tpu.memory_space<hbm>>
    %dma_wait3A_420 = tpu.memref_squeeze %dma_wait3A_419 : memref<1x1024xf32, #tpu.memory_space<hbm>> -> memref<1024xf32, #tpu.memory_space<hbm>>
    %dma_wait3A_421 = arith.constant 1024 : i32
    %dma_wait3A_422 = tpu.memref_slice %arg9[%dma_wait3A_421] : memref<2048xf32, #tpu.memory_space<vmem>> -> memref<1024xf32, #tpu.memory_space<vmem>>
    tpu.wait_dma2 semaphore(%arg11 : memref<!tpu.dma_semaphore, #tpu.memory_space<semaphore_mem>>) src(%dma_wait3A_422 : memref<1024xf32, #tpu.memory_space<vmem>>) dst(%dma_wait3A_420 : memref<1024xf32, #tpu.memory_space<hbm>>)
    return
  }
}

</mosaic_0001>

<sc_bundles>
// kernel: _run.3.cloned.1.call-start
scs
__scs_entry_jumppad:
0x0: {  	(pc) =	sbr.rel $0x88, $3  }
0x1: {  	(tag) =	ssettag $0x0;
	lr =	simm.s32 $0x1  }
0x2: {  	[smem:$0x3F9F] =	sst lr;
	_ =	strace $0xD0000000  }
0x3: {  	_ = 	snop  }
0x4: {  	_ = 	snop  }
0x5: {  	_ = 	snop  }
0x6: {  	_ = 	snop  }
0x7: {  	_ = 	snop  }
__scs_overlays_trampoline_lowered:
0x8: {  	[smem:$0x3FAE] =	sst s0  }
0x9: {  	[smem:$0x3FAF] =	sst s1  }
0xa: {  	[smem:$0x3FB0] =	sst s2  }
0xb: {  	[smem:$0x3FB1] =	sst s3  }
0xc: {  	[smem:$0x3FB2] =	sst s4  }
0xd: {  	[smem:$0x3FB3] =	sst s5  }
0xe: {  	[smem:$0x3FB4] =	sst s6  }
0xf: {  	[smem:$0x3FB5] =	sst s7  }
0x10: {  	[smem:$0x3FB6] =	sst s8  }
0x11: {  	[smem:$0x3FB7] =	sst s9;
	s0 =	simm.s32 @!p0 $0x0  }
0x12: {  	s1 =	sld [smem:$0x3F9D];
	s0 =	simm.s32 @p0 $0x1  }
0x13: {  	[smem:$0x3FB8] =	sst s0;
	s0 =	simm.s32 @!p1 $0x0  }
0x14: {  	s2 =	sld [smem:$0x3F9C];
	s0 =	simm.s32 @p1 $0x1  }
0x15: {  	[smem:$0x3FB9] =	sst s0;
	s0 =	simm.s32 @!p2 $0x0  }
0x16: {  	s3 =	sld [smem:$0x3FDB];
	s0 =	simm.s32 @p2 $0x1  }
0x17: {  	s4 =	simm.s32 $0x1BF5;
	[smem:$0x3FBB] =	sst s0  }
0x18: {  	s0 =	sld [smem:$0x3F9E];
	_ =	swait.ge [sflag:s4], $0x0  }
0x19: {  	s7 =	sld [smem:$0x3F9F]  }
0x1a: {  	s8 =	sadd.s32 $0xFFFFE003, lr  }
0x1b: {  	s9 =	sadd.s32 $0xFFFFFEF7, lr;
	s5 =	simm.s32 $0xFFFFFFFF;
	p2 =	slt.u32 s8, $0xFFFFF086  }
0x1c: {  	p1 =	slt.u32 s9, $0xF7A;
	s5 =	simm.s32 @!p2 $0x0  }
0x1d: {  	s5 =	simm.s32 @p1 $0x1;
	p0 =	seq.s32 s7, s2  }
0x1e: {  	s7 =	smul.u32 @!p0 $0xF7A, s2;
	p2 =	seq.s32 @!p0 s5, $0x0  }
0x1f: {  	s9 =	smul.u32 $0xF7A, s1;
	s8 =	simm.s32 @!p0 $0x1BF5;
	p2 =	por !p2, p0  }
0x20: {  	[sflag:s8] =	ssyncset.s32 @!p0 $0xFFFFF086;
	s6 =	sadd.s32 @!p0 s3, s7;
	s7 =	simm.s32 @!p0 $0x108  }
0x21: {  	s3 =	sadd.s32 s3, s9;
	s6 =	sadd.s32 @!p0 $0x88, s6;
	s7 =	simm.s32 @p2 $0x1082  }
0x22: {  	[simem:s7], [sflag:s8] =	dma.local @!p0 [hbm:s6], $0xF7A  }
0x23: {  	s9 =	sor.u32 $0xD0000000, s2;
	s6 =	simm.s32 $0x108;
	_ =	swait.ge @!p0 [sflag:s8], $0x0  }
0x24: {  	s3 =	sadd.s32 $0x88, s3;
	s6 =	simm.s32 @!p1 $0x1082;
	[sflag:s4] =	ssyncset.s32 $0xFFFFF086  }
0x25: {  	[simem:s6], [sflag:s4] =	dma.local [hbm:s3], $0xF7A  }
0x26: {  	[smem:$0x3F9F] =	sst s1;
	(tag) =	ssettag s2;
	_ =	strace s9  }
0x27: {  	s1 =	sld [smem:$0x3FAF]  }
0x28: {  	s2 =	sld [smem:$0x3FB0]  }
0x29: {  	s4 =	sld [smem:$0x3FB2]  }
0x2a: {  	p0 =	seq.s32 s5, $0x0;
	s5 =	sld [smem:$0x3FB3]  }
0x2b: {  	s6 =	sld [smem:$0x3FB4]  }
0x2c: {  	s7 =	sld [smem:$0x3FB5]  }
0x2d: {  	s3 =	simm.s32 $0x108;
	s8 =	sld [smem:$0x3FB6]  }
0x2e: {  	s3 =	simm.s32 @!p0 $0x1082;
	s9 =	sld [smem:$0x3FB7]  }
0x2f: {  	lr =	sadd.s32 s0, s3;
	s0 =	sld [smem:$0x3FAE]  }
0x30: {  	s3 =	sld [smem:$0x3FB1]  }
0x31: {  	[smem:$0x3FBA] =	sst s10  }
0x32: {  	s10 =	sld [smem:$0x3FB8];
	_ =	sdelay $0x3  }
0x33: {  	p0 =	seq.s32 s10, $0x1;
	s10 =	sld [smem:$0x3FBA];
	_ =	sdelay $0x3  }
0x34: {  	[smem:$0x3FBA] =	sst s10  }
0x35: {  	s10 =	sld [smem:$0x3FB9];
	_ =	sdelay $0x3  }
0x36: {  	p1 =	seq.s32 s10, $0x1;
	s10 =	sld [smem:$0x3FBA];
	_ =	sdelay $0x3  }
0x37: {  	[smem:$0x3FBA] =	sst s10  }
0x38: {  	s10 =	sld [smem:$0x3FBB]  }
0x39: {  	_ = 	snop;
	(pc) =	sbr.ind lr, $3  }
0x3a: {  	_ = 	snop  }
0x3b: {  	_ = 	snop  }
0x3c: {  	p2 =	seq.s32 s10, $0x1;
	s10 =	sld [smem:$0x3FBA]  }
0x3d: {  	_ =	shalt  }
0x3e: {  	_ =	shalt  }
0x3f: {  	_ =	shalt  }
0x40: {  	_ =	shalt  }
0x41: {  	_ =	shalt  }
0x42: {  	_ =	shalt  }
0x43: {  	_ =	shalt  }
0x44: {  	_ =	shalt  }
0x45: {  	_ =	shalt  }
0x46: {  	_ =	shalt  }
0x47: {  	_ =	shalt  }
0x48: {  	_ =	shalt  }
0x49: {  	_ =	shalt  }
0x4a: {  	_ =	shalt  }
0x4b: {  	_ =	shalt  }
0x4c: {  	_ =	shalt  }
0x4d: {  	_ =	shalt  }
0x4e: {  	_ =	shalt  }
0x4f: {  	_ =	shalt  }
0x50: {  	_ =	shalt  }
0x51: {  	_ =	shalt  }
0x52: {  	_ =	shalt  }
0x53: {  	_ =	shalt  }
0x54: {  	_ =	shalt  }
0x55: {  	_ =	shalt  }
0x56: {  	_ =	shalt  }
0x57: {  	_ =	shalt  }
0x58: {  	_ =	shalt  }
0x59: {  	_ =	shalt  }
0x5a: {  	_ =	shalt  }
0x5b: {  	_ =	shalt  }
0x5c: {  	_ =	shalt  }
0x5d: {  	_ =	shalt  }
0x5e: {  	_ =	shalt  }
0x5f: {  	_ =	shalt  }
0x60: {  	_ =	shalt  }
0x61: {  	_ =	shalt  }
0x62: {  	_ =	shalt  }
0x63: {  	_ =	shalt  }
0x64: {  	_ =	shalt  }
0x65: {  	_ =	shalt  }
0x66: {  	_ =	shalt  }
0x67: {  	_ =	shalt  }
0x68: {  	_ =	shalt  }
0x69: {  	_ =	shalt  }
0x6a: {  	_ =	shalt  }
0x6b: {  	_ =	shalt  }
0x6c: {  	_ =	shalt  }
0x6d: {  	_ =	shalt  }
0x6e: {  	_ =	shalt  }
0x6f: {  	_ =	shalt  }
0x70: {  	_ =	shalt  }
0x71: {  	_ =	shalt  }
0x72: {  	_ =	shalt  }
0x73: {  	_ =	shalt  }
0x74: {  	_ =	shalt  }
0x75: {  	_ =	shalt  }
0x76: {  	_ =	shalt  }
0x77: {  	_ =	shalt  }
0x78: {  	_ =	shalt  }
0x79: {  	_ =	shalt  }
0x7a: {  	_ =	shalt  }
0x7b: {  	_ =	shalt  }
0x7c: {  	_ =	shalt  }
0x7d: {  	_ =	shalt  }
0x7e: {  	_ =	shalt  }
0x7f: {  	_ =	shalt  }
0x80: {  	_ =	shalt  }
0x81: {  	_ =	shalt  }
0x82: {  	_ =	shalt  }
0x83: {  	_ =	shalt  }
0x84: {  	_ =	shalt  }
0x85: {  	_ =	shalt  }
0x86: {  	_ =	shalt  }
0x87: {  	_ =	shalt  }
.Lfunc_end0:
.L_simem_size_0:
called_computation_lowered:
.L_overlay_start_0:
0x88: {  	s2 =	sld [smem:$0x3FD9]  }
0x89: {  	s3 =	sld [smem:$0x3FFE];
	_ =	sdelay $0x1  }
0x8a: {  	s1 =	srdreg.scid  }
0x8b: {  	s0 =	sand.u32 $0x1, s1  }
0x8c: {  	s17 =	sshll.u32 s0, $0xA;
	s2 =	sadd.s32 s3, s2  }
0x8d: {  	s2 =	sadd.s32 s2, s17  }
0x8e: {  	[smem:$0x3FC6] =	sst s2  }
0x8f: {  	_ = 	snop  }
0x90: {  	s2 =	sld [smem:$0x3FC9]  }
0x91: {  	s18 =	sld [smem:$0x3FC8]  }
0x92: {  	s4 =	sld [smem:$0x3FD0];
	(tm) =	ssettm $0x1  }
0x93: {  	s5 =	sld [smem:$0x3FFB];
	_ =	sdelay $0x3  }
0x94: {  	_ =	strace s5  }
0x95: {  	s5 =	sld [smem:$0x3FFC];
	_ =	sdelay $0x3  }
0x96: {  	_ =	strace s5  }
0x97: {  	s5 =	sld [smem:$0x3FFD];
	_ =	sdelay $0x3  }
0x98: {  	_ =	strace s5  }
0x99: {  	_ =	strace $0x8FFFFFFF  }
0x9a: {  	s19 =	sld [smem:$0x3FDB];
	_ =	sdelay $0x1  }
0x9b: {  	s6 =	simm.s32 $_scs_section_size  }
0x9c: {  	s7 =	simm.s32 $_size__tile_overlayer_lowered;
	s8 =	simm.s32 $_tile_overlayer_lowered  }
0x9d: {  	s22 =	simm.s32 $0x1BFF;
	s21 =	sshll.u32 s8, $0x1;
	s5 =	sadd.s32 s6, s19  }
0x9e: {  	s9 =	simm.s32 $0x0;
	s20 =	sshll.u32 s7, $0x1;
	s7 =	sadd.s32 s21, s5  }
0x9f: {  	[timem:s9], [sflag:s22] =	dma.local [hbm:s7], s20  }
0xa0: {  	_ =	swait.ge [sflag:s22], s20  }
0xa1: {  	s6 =	ssub.s32 $0x0, s20;
	[sflag:s22] =	ssyncset.done $0x0  }
0xa2: {  	[sflag:s22] =	ssyncadd.s32 s6;
	_ =	sdelay $0x1  }
0xa3: {  	s23 =	simm.s32 $0x1B8B  }
0xa4: {  	_ =	swait.ge [sflag:s23], $0x1  }
0xa5: {  	[sflag:s23] =	ssyncset.done $0x0  }
0xa6: {  	s25 =	simm.s32 $0x1B8E;
	s24 =	sld [smem:$0x3FFE];
	[sflag:s23] =	ssyncadd.s32 $0xFFFFFFFF  }
0xa7: {  	s26 =	simm.s32 $execute0_lowered;
	[smem:$0x3FD2] =	sst s25  }
0xa8: {  	s7 =	sshll.u32 s26, $0x1;
	_ =	strace $0x80000046;
	[dreg:$0x1] =	wrdreg $0xFFFFFFFF  }
0xa9: {  	s28 =	simm.s32 $_size_execute0_lowered;
	s5 =	sadd.s32 s5, s7;
	[dreg:$0x0] =	wrdreg $0x0  }
0xaa: {  	s7 =	sshll.u32 s28, $0x1;
	[dreg:$0x2] =	wrdreg s5  }
0xab: {  	[dreg:$0x3] =	wrdreg s7  }
0xac: {  	[dreg:$0x4] =	wrdreg $0xC0  }
0xad: {  	_ =	task [dreg:s9], $0x5FFFF  }
0xae: {  	[dreg:$0x1] =	wrdreg $0xFFFFFFFF  }
0xaf: {  	[dreg:$0x0] =	wrdreg $0x60  }
0xb0: {  	[dreg:$0x2] =	wrdreg s2  }
0xb1: {  	[dreg:$0x3] =	wrdreg s18  }
0xb2: {  	[dreg:$0x4] =	wrdreg s24  }
0xb3: {  	[dreg:$0x5] =	wrdreg s4  }
0xb4: {  	[dreg:$0x6] =	wrdreg $0x9  }
0xb5: {  	_ =	task.clear_ibuf [dreg:s9], $0x7FFFF;
	_ =	strace $0x90000046  }
0xb6: {  	s29 =	simm.s32 $0x9;
	_ =	strace $0x80000048  }
0xb7: {  	_ =	swait.ge [sflag:s29], $0x1  }
0xb8: {  	[sflag:s29] =	ssyncadd.s32 $0xFFFFFFFF  }
0xb9: {  	_ =	strace $0x90000048  }
0xba: {  	_ =	sfence  }
0xbb: {  	s30 =	sld [smem:$0x0];
	_ =	sdelay $0x2  }
0xbc: {  	s31 =	sshll.u32 s1, $0xD;
	s1 =	sshrl.u32 s1, $0x2  }
0xbd: {  	s3 =	sand.u32 $0x4000, s31;
	s1 =	sadd.s32 s1, s30  }
0xbe: {  	s0 =	sor.u32 s3, s0;
	s1 =	sshll.u32 s1, $0x11  }
0xbf: {  	s0 =	sor.u32 s1, s0  }
0xc0: {  	s0 =	sadd.s32 $0x8F2B, s0  }
0xc1: {  	[sflag:s0] =	ssyncadd.remote.s32 $0x1  }
0xc2: {  	_ =	sfence.sel $0xFFFF  }
0xc3: {  	[dreg:$0x0] =	wrdreg $0xFFFFFFFF;
	(pc) =	sbr.abs _section_cstart, $3  }
0xc4: {  	[dreg:$0x1] =	wrdreg $0xFFFFFFFF  }
0xc5: {  	_ =	task.clear_ibuf [dreg:s9], $0x2FFFF;
	_ =	strace $0x9FFFFFFF  }
0xc6: {  	(tm) =	ssettm $0x7FFFFFFF  }
0xc7: {  	_ =	shalt  }
tec
execute0_lowered:
.L_overlay_start_1:
0x0: {  	(tag) =	ssettag $0x1  }
0x1: {  	s1 =	rddreg [dreg:$0x0]  }
0x2: {  	s0 =	rddreg [dreg:$0x1]  }
0x3: {  	s2 =	rddreg [dreg:$0x2]  }
0x4: {  	s9 =	rddreg [dreg:$0x3];
	s3 =	simm.s32 $0x0;
	s4 =	srdreg.scid  }
0x5: {  	s6 =	stileid.u32;
	s18 =	simm.s32 $0x2000;
	s22 =	simm.s32 $0x2580  }
0x6: {  	s23 =	simm.s32 $0x1E00;
	s24 =	simm.s32 $0x2600;
	s25 =	simm.s32 $0x1E80  }
0x7: {  	s28 =	simm.s32 $0x1F00;
	s29 =	simm.s32 $0x2700;
	s30 =	simm.s32 $0x1F80  }
0x8: {  	s31 =	simm.s32 $0x2780;
	[smem:$0x7FF] =	sst s3;
	s4 =	sand.u32 $0x1, s4  }
0x9: {  	s5 =	sshll.u32 s6, $0x1;
	s2 =	sadd.s32 $0x400, s2;
	s6 =	sshrl.u32 s6, $0x1  }
0xa: {  	v0 =	vimm.s32 $0x76543210;
	_ =	strace $0x80000047;
	s8 =	sor.u32 s4, s5;
	s7 =	sshll.u32 s6, $0xE  }
0xb: {  	v1 =	vimm.s32 $0xFEDCBA98;
	v2 =	vimm.s32 $0xBA98FEDC;
	s4 =	ssub.s32 $0x2, s4;
	s26 =	sshll.u32 s6, $0xD;
	s5 =	sshll.u32 s8, $0x8  }
0xc: {  	v4 =	vimm.s32 $0x32107654;
	v5 =	vimm.s32 $0xDCFE98BA;
	v1 =	vunpack.c.l.s4.s8 v1;
	s11 =	sshllo.u32 s8, $0x1;
	s14 =	sshrl.u32 s4, $0x1;
	s17 =	sshll.u32 s8, $0x16  }
0xd: {  	v6 =	vimm.s32 $0x54761032;
	v8 =	vimm.s32 $0x67452301;
	s10 =	sand.u32 $0x300, s5;
	s13 =	sshll.u32 s11, $0x7;
	s14 =	ssub.s32 s4, s14  }
0xe: {  	v3 =	vunpack.c.l.s4.s8 v0;
	v4 =	vunpack.c.l.s4.s8 v4;
	v1 =	vunpack.c.0.s8.s32 v1;
	s5 =	sadd.s32 s2, s5;
	s21 =	sshll.u32 s11, $0x15;
	s11 =	simm.s32 $0x80  }
0xf: {  	v5 =	vunpack.c.l.s4.s8 v5;
	v6 =	vunpack.c.l.s4.s8 v6;
	v8 =	vunpack.c.l.s4.s8 v8;
	s12 =	sor.u32 s7, s10;
	s15 =	sand.u32 $0x380, s13;
	s16 =	sor.u32 s26, s10  }
0x10: {  	v7 =	vand.u32 $0xF, v1;
	v1 =	vunpack.c.l.s4.s8 v2;
	v2 =	vimm.s32 $0xEFCDAB89;
	s12 =	sshrl.u32 s12, $0x3;
	s7 =	sor.u32 s7, s15;
	s19 =	sshrl.u32 s16, $0x3  }
0x11: {  	v3 =	vunpack.c.0.s8.s32 v3;
	v4 =	vunpack.c.0.s8.s32 v4;
	s20 =	sor.u32 s26, s15;
	s16 =	simm.s32 $0x2;
	v2 =	vunpack.c.l.s4.s8 v2;
	s26 =	simm.s32 $0x2680  }
0x12: {  	v5 =	vunpack.c.0.s8.s32 v5;
	v6 =	vunpack.c.0.s8.s32 v6;
	s4 =	sadd.s32 s0, s12;
	s7 =	sshrl.u32 s7, $0x3;
	s8 =	sadd.s32 s9, s19;
	v9 =	vunpack.c.0.s8.s32 v1  }
0x13: {  	v8 =	vunpack.c.0.s8.s32 v8;
	v0 =	vmov s17;
	s10 =	sshrl.u32 s20, $0x3;
	s12 =	simm.s32 $0x400;
	s6 =	sadd.s32 s0, s7;
	v10 =	vunpack.c.0.s8.s32 v2  }
0x14: {  	v1 =	vmov s21;
	s7 =	sadd.s32 s2, s13;
	s9 =	sadd.s32 s9, s10;
	s10 =	smax.u32 s14, $0x1;
	v2 =	vcombine.low v7, v3;
	v3 =	vcombine.low v4, v9  }
0x15: {  	s14 =	simm.s32 $0x2400;
	s0 =	simm.s32 $0x1;
	s2 =	simm.s32 $0x0;
	v4 =	vcombine.low v6, v5;
	v5 =	vlaneseq.u32;
	v6 =	vcombine.low v8, v10  }
.LBB2_1:
0x16: {  	[tilespmem:s3], [sflag:$0x2] =	stream.strided.gather [hbm4b:s4+s11], $0x800, s12, s11, $0x38;
	[tilespmem:$0x2800] =	vst v63  }
0x17: {  	s13 =	simm.s32 $0x1000  }
0x18: {  	[tilespmem:s13], [sflag:$0x2] =	stream.linear.gather [hbm4b:s5+s3], $0x400, $0x38;
	[tilespmem:$0x2800] =	vst v63  }
0x19: {  	s20 =	simm.s32 $0x800  }
0x1a: {  	[tilespmem:s20], [sflag:$0x2] =	stream.strided.gather [hbm4b:s6+s11], $0x800, s12, s11, $0x38;
	[tilespmem:$0x2800] =	vst v63  }
0x1b: {  	s21 =	simm.s32 $0x1400  }
0x1c: {  	[tilespmem:s21], [sflag:$0x2] =	stream.linear.gather [hbm4b:s7+s3], $0x400, $0x38;
	[tilespmem:$0x2800] =	vst v63  }
0x1d: {  	_ =	swait.ge [sflag:s16], $0x800  }
0x1e: {  	[sflag:s16] =	ssyncset.done $0x0  }
0x1f: {  	[sflag:s16] =	ssyncadd.s32 $0xFFFFF800  }
0x20: {  	_ =	swait.ge [sflag:s16], $0x400  }
0x21: {  	[sflag:s16] =	ssyncset.done $0x0  }
0x22: {  	s15 =	simm.s32 $0x20;
	[sflag:s16] =	ssyncadd.s32 $0xFFFFFC00  }
0x23: {  	v7 =	vld [tilespmem:s15+$0xFFFFFFE0];
	_ =	sdelay $0x1  }
0x24: {  	v8 =	vld [tilespmem:s15+$0xFFFFFFF0];
	_ =	sdelay $0x1  }
0x25: {  	v9 =	vld [tilespmem:s15+$0x0]  }
0x26: {  	vm0 =	veq.s32 v7, $0x0;
	v7 =	vor.u32 s3, v5  }
0x27: {  	v10 =	vimm.s32 $0x800;
	s17 =	simm.s32 $0x10;
	v11 =	vnsel vm0, $0x800, v7;
	v7 =	vld [tilespmem:s15+$0x10]  }
0x28: {  	s19 =	simm.s32 $0x80;
	v12 =	vor.u32 s17, v5;
	vm1 =	veq.s32 v8, $0x0;
	s15 =	simm.s32 $0x60;
	vm0 =	vlt.s32 v10, v11  }
0x29: {  	s17 =	simm.s32 $0x0;
	s13 =	simm.s32 $0x40;
	s20 =	simm.s32 $0x20;
	v8 =	vld [tilespmem:s15+$0xFFFFFFE0];
	v10 =	vsel vm0, v10, v11;
	v11 =	vnsel vm1, $0x800, v12  }
.LBB2_2:
0x2a: {  	p0 =	sne.s32 s19, $0x7C0;
	vm0 =	vlt.s32 v10, v11;
	vm1 =	veq.s32 v9, $0x0;
	v9 =	vor.u32 s20, v5  }
0x2b: {  	s20 =	sadd.s32 $0x30, s17;
	s17 =	smov.u32 s13;
	s13 =	smov.u32 s19;
	v12 =	vld [tilespmem:s15+$0xFFFFFFF0];
	v10 =	vsel vm0, v10, v11;
	v11 =	vnsel vm1, $0x800, v9  }
0x2c: {  	vm0 =	vlt.s32 v10, v11;
	vm1 =	veq.s32 v7, $0x0;
	v7 =	vor.u32 s20, v5  }
.Ltmp0:
0x2d: {  	v9 =	vld [tilespmem:s15+$0x0];
	v10 =	vsel vm0, v10, v11;
	v11 =	vnsel vm1, $0x800, v7;
	(pc) =	sbr.rel @p0 .LBB2_2-.Ltmp0, $4  }
0x2e: {  	v7 =	vor.u32 s17, v5;
	vm0 =	veq.s32 v8, $0x0;
	vm1 =	vlt.s32 v10, v11  }
0x2f: {  	s20 =	sadd.s32 $0x10, s17;
	v13 =	vnsel vm0, $0x800, v7;
	v7 =	vld [tilespmem:s15+$0x10];
	v10 =	vsel vm1, v10, v11  }
0x30: {  	v11 =	vor.u32 s20, v5;
	s15 =	sadd.s32 $0x40, s15;
	vm0 =	vlt.s32 v10, v13;
	vm1 =	veq.s32 v12, $0x0  }
0x31: {  	s19 =	sadd.s32 $0x40, s19;
	s20 =	sadd.s32 $0x20, s17;
	v8 =	vld [tilespmem:s15+$0xFFFFFFE0];
	v10 =	vsel vm0, v10, v13;
	v11 =	vnsel vm1, $0x800, v11  }
0x32: {  	vm0 =	vlt.s32 v10, v11;
	vm1 =	veq.s32 v9, $0x0;
	v9 =	vor.u32 s20, v5  }
0x33: {  	v12 =	vld [tilespmem:s15+$0xFFFFFFF0];
	s17 =	sadd.s32 $0x30, s17;
	v10 =	vsel vm0, v10, v11;
	v9 =	vnsel vm1, $0x800, v9  }
0x34: {  	vm0 =	vlt.s32 v10, v9;
	vm9 =	veq.s32 v7, $0x0;
	v7 =	vor.u32 s17, v5  }
0x35: {  	v11 =	vld [tilespmem:s15+$0x0];
	v9 =	vsel vm0, v10, v9;
	v7 =	vnsel vm9, $0x800, v7  }
0x36: {  	vm10 =	veq.s32 v8, $0x0;
	v8 =	vor.u32 s13, v5;
	vm1 =	vlt.s32 v9, v7  }
0x37: {  	s20 =	sadd.s32 $0x10, s13;
	v10 =	vld [tilespmem:s15+$0x10];
	v8 =	vnsel vm10, $0x800, v8;
	v7 =	vsel vm1, v9, v7  }
0x38: {  	vm11 =	veq.s32 v12, $0x0;
	v9 =	vor.u32 s20, v5;
	vm0 =	vlt.s32 v7, v8  }
0x39: {  	s21 =	sadd.s32 $0x20, s13;
	v7 =	vsel vm0, v7, v8;
	v8 =	vnsel vm11, $0x800, v9  }
0x3a: {  	vm12 =	veq.s32 v11, $0x0;
	v9 =	vor.u32 s21, v5;
	vm0 =	vlt.s32 v7, v8  }
0x3b: {  	s17 =	sadd.s32 $0x30, s13;
	v7 =	vsel vm0, v7, v8;
	v8 =	vnsel vm12, $0x800, v9  }
0x3c: {  	vm13 =	veq.s32 v10, $0x0;
	v9 =	vor.u32 s17, v5;
	vm0 =	vlt.s32 v7, v8  }
0x3d: {  	v7 =	vsel vm0, v7, v8;
	v8 =	vnsel vm13, $0x800, v9  }
0x3e: {  	vm0 =	vlt.s32 v7, v8  }
0x3f: {  	v7 =	vsel vm0, v7, v8  }
0x40: {  	v8 =	vperm.xlane v7, v2;
	_ =	sdelay $0x1  }
0x41: {  	vm0 =	vlt.s32 v7, v8  }
0x42: {  	v7 =	vsel vm0, v7, v8  }
0x43: {  	v8 =	vperm.xlane v7, v3;
	_ =	sdelay $0x1  }
0x44: {  	vm0 =	vlt.s32 v7, v8  }
0x45: {  	v7 =	vsel vm0, v7, v8  }
0x46: {  	v8 =	vperm.xlane v7, v4;
	_ =	sdelay $0x1  }
0x47: {  	vm0 =	vlt.s32 v7, v8  }
0x48: {  	v7 =	vsel vm0, v7, v8  }
0x49: {  	v8 =	vperm.xlane v7, v6;
	_ =	sdelay $0x1  }
0x4a: {  	vm0 =	vlt.s32 v7, v8  }
0x4b: {  	s19 =	simm.s32 $0x1000;
	v7 =	vsel vm0, v7, v8  }
0x4c: {  	v8 =	vld [tilespmem:s19+$0x0];
	v7 =	vadd.s32 $0xFFFFFFFF, v7  }
0x4d: {  	vm14 =	vgt.s32 v7, $0x1  }
0x4e: {  	v9 =	vnsel vm14, $0x1, v7  }
0x4f: {  	v7 =	vcvt.s32.f32 v9;
	_ =	sdelay $0x1  }
0x50: {  	v8 =	vmul.f32 v7, v8;
	_ =	sdelay $0x1  }
0x51: {  	v8 =	vtrunc.f32 v8  }
0x52: {  	v10 =	vcvt.f32.s32 v8  }
0x53: {  	v8 =	vadd.s32 $0xFFFFFFFF, v9  }
0x54: {  	vm15 =	vlt.s32 v10, v8  }
0x55: {  	v9 =	vsel vm15, v10, v8  }
0x56: {  	s20 =	simm.s32 $0x0;
	v10 =	vand.u32 $0x3FFFF8, v9  }
0x57: {  	v10 =	vadd.s32 s20, v10  }
0x58: {  	v9 =	vshll.u32 v9, $0x7;
	v10 =	vshll.u32 v10, $0xA  }
0x59: {  	s13 =	simm.s32 $0x0;
	v9 =	vand.u32 $0x380, v9;
	v10 =	vadd.s32 v0, v10  }
0x5a: {  	s21 =	sand.u32 $0x70, s13;
	v9 =	vor.u32 v9, v10  }
0x5b: {  	v9 =	vor.u32 s21, v9  }
0x5c: {  	s15 =	simm.s32 $0x1800;
	v9 =	vor.u32 v5, v9  }
0x5d: {  	s19 =	simm.s32 $0x1010;
	[tilespmem:s15+$0x0] =	vst v9  }
0x5e: {  	s17 =	simm.s32 $0x1;
	s20 =	simm.s32 $0x2;
	v9 =	vld [tilespmem:s19+$0x0]  }
.LBB2_4:
0x5f: {  	p0 =	sne.s32 s20, $0x3F;
	_ =	sdelay $0x3  }
0x60: {  	v9 =	vmul.f32 v7, v9;
	_ =	sdelay $0x1  }
0x61: {  	v9 =	vtrunc.f32 v9  }
0x62: {  	v9 =	vcvt.f32.s32 v9;
	_ =	sdelay $0x1  }
0x63: {  	vm0 =	vlt.s32 v9, v8  }
0x64: {  	v9 =	vsel vm0, v9, v8  }
0x65: {  	s21 =	sshrl.u32 s17, $0x3;
	s17 =	smov.u32 s20;
	v10 =	vand.u32 $0x3FFFF8, v9  }
0x66: {  	v10 =	vadd.s32 s21, v10  }
0x67: {  	v9 =	vshll.u32 v9, $0x7;
	v10 =	vshll.u32 v10, $0xA  }
0x68: {  	s13 =	sadd.s32 $0x10, s13;
	v9 =	vand.u32 $0x380, v9;
	v10 =	vadd.s32 v0, v10  }
.Ltmp1:
0x69: {  	s21 =	sand.u32 $0x70, s13;
	v9 =	vor.u32 v9, v10;
	(pc) =	sbr.rel @p0 .LBB2_4-.Ltmp1, $4  }
0x6a: {  	v9 =	vor.u32 s21, v9  }
0x6b: {  	s15 =	sadd.s32 $0x10, s15;
	v9 =	vor.u32 v5, v9  }
0x6c: {  	s19 =	sadd.s32 $0x10, s19;
	[tilespmem:s15+$0x0] =	vst v9  }
0x6d: {  	s20 =	sadd.s32 $0x1, s20;
	v9 =	vld [tilespmem:s19+$0x0]  }
0x6e: {  	_ =	sdelay $0x3  }
0x6f: {  	v7 =	vmul.f32 v7, v9;
	_ =	sdelay $0x1  }
0x70: {  	v7 =	vtrunc.f32 v7  }
0x71: {  	v7 =	vcvt.f32.s32 v7;
	_ =	sdelay $0x1  }
0x72: {  	vm0 =	vlt.s32 v7, v8  }
0x73: {  	v7 =	vsel vm0, v7, v8  }
0x74: {  	s17 =	sshrl.u32 s17, $0x3;
	v8 =	vand.u32 $0x3FFFF8, v7  }
0x75: {  	v8 =	vadd.s32 s17, v8  }
0x76: {  	v7 =	vshll.u32 v7, $0x7;
	v8 =	vshll.u32 v8, $0xA  }
0x77: {  	s13 =	sadd.s32 $0x10, s13;
	v7 =	vand.u32 $0x380, v7;
	v8 =	vadd.s32 v0, v8  }
0x78: {  	s13 =	sand.u32 $0x70, s13;
	v7 =	vor.u32 v7, v8  }
0x79: {  	v7 =	vor.u32 s13, v7  }
0x7a: {  	s17 =	sadd.s32 $0x10, s15;
	v7 =	vor.u32 v5, v7  }
0x7b: {  	s19 =	simm.s32 $0x1800;
	[tilespmem:s17+$0x0] =	vst v7  }
0x7c: {  	[tilespmem:s18], [sflag:$0x1] =	stream.indirect.gather [hbm4b:s1+s11], $0x1, s19, s11, $0xb8;
	[tilespmem:$0x2800] =	vst v63  }
0x7d: {  	s20 =	simm.s32 $0x1880;
	s21 =	simm.s32 $0x2080  }
0x7e: {  	[tilespmem:s21], [sflag:$0x1] =	stream.indirect.gather [hbm4b:s1+s11], $0x1, s20, s11, $0xb8;
	[tilespmem:$0x2800] =	vst v63  }
0x7f: {  	s17 =	simm.s32 $0x1900;
	s19 =	simm.s32 $0x2100  }
0x80: {  	[tilespmem:s19], [sflag:$0x1] =	stream.indirect.gather [hbm4b:s1+s11], $0x1, s17, s11, $0xb8;
	[tilespmem:$0x2800] =	vst v63  }
0x81: {  	s20 =	simm.s32 $0x1980;
	s21 =	simm.s32 $0x2180  }
0x82: {  	[tilespmem:s21], [sflag:$0x1] =	stream.indirect.gather [hbm4b:s1+s11], $0x1, s20, s11, $0xb8;
	[tilespmem:$0x2800] =	vst v63  }
0x83: {  	s17 =	simm.s32 $0x1A00;
	s19 =	simm.s32 $0x2200  }
0x84: {  	[tilespmem:s19], [sflag:$0x1] =	stream.indirect.gather [hbm4b:s1+s11], $0x1, s17, s11, $0xb8;
	[tilespmem:$0x2800] =	vst v63  }
0x85: {  	s20 =	simm.s32 $0x1A80;
	s21 =	simm.s32 $0x2280  }
0x86: {  	[tilespmem:s21], [sflag:$0x1] =	stream.indirect.gather [hbm4b:s1+s11], $0x1, s20, s11, $0xb8;
	[tilespmem:$0x2800] =	vst v63  }
0x87: {  	s15 =	simm.s32 $0x1B00;
	s17 =	simm.s32 $0x2300  }
0x88: {  	[tilespmem:s17], [sflag:$0x1] =	stream.indirect.gather [hbm4b:s1+s11], $0x1, s15, s11, $0xb8;
	[tilespmem:$0x2800] =	vst v63  }
0x89: {  	s19 =	simm.s32 $0x1B80;
	s20 =	simm.s32 $0x2380  }
0x8a: {  	[tilespmem:s20], [sflag:$0x1] =	stream.indirect.gather [hbm4b:s1+s11], $0x1, s19, s11, $0xb8;
	[tilespmem:$0x2800] =	vst v63  }
0x8b: {  	_ =	swait.ge [sflag:s16], $0x800  }
0x8c: {  	[sflag:s16] =	ssyncset.done $0x0  }
0x8d: {  	[sflag:s16] =	ssyncadd.s32 $0xFFFFF800  }
0x8e: {  	_ =	swait.ge [sflag:s16], $0x400  }
0x8f: {  	s15 =	simm.s32 $0x0;
	[sflag:s16] =	ssyncset.done $0x0  }
0x90: {  	s21 =	sand.u32 $0x7C0, s15;
	[sflag:s16] =	ssyncadd.s32 $0xFFFFFC00  }
0x91: {  	v7 =	vld [tilespmem:s21+$0x800]  }
0x92: {  	s17 =	simm.s32 $0x830  }
0x93: {  	v11 =	vld [tilespmem:s17+$0xFFFFFFE0];
	_ =	sdelay $0x1  }
0x94: {  	v8 =	vld [tilespmem:s17+$0xFFFFFFF0]  }
0x95: {  	vm0 =	veq.s32 v7, $0x0;
	v7 =	vor.u32 s15, v5  }
0x96: {  	v9 =	vimm.s32 $0x800;
	s13 =	simm.s32 $0x40;
	s21 =	simm.s32 $0x10;
	v10 =	vnsel vm0, $0x800, v7;
	v7 =	vld [tilespmem:s17+$0x0]  }
0x97: {  	s20 =	sand.u32 $0x7C0, s13;
	s19 =	simm.s32 $0x80;
	vm1 =	veq.s32 v11, $0x0;
	v11 =	vor.u32 s21, v5;
	vm0 =	vlt.s32 v9, v10  }
.LBB2_6:
0x98: {  	p0 =	sne.s32 s19, $0x7C0;
	v12 =	vld [tilespmem:s20+$0x800];
	v9 =	vsel vm0, v9, v10;
	v10 =	vnsel vm1, $0x800, v11;
	s20 =	sadd.s32 $0x20, s15  }
0x99: {  	s17 =	sadd.s32 $0x40, s17;
	vm0 =	vlt.s32 v9, v10;
	vm1 =	veq.s32 v8, $0x0;
	v8 =	vor.u32 s20, v5  }
0x9a: {  	s20 =	sadd.s32 $0x30, s15;
	s15 =	smov.u32 s13;
	s13 =	smov.u32 s19;
	v11 =	vld [tilespmem:s17+$0xFFFFFFE0];
	v9 =	vsel vm0, v9, v10;
	v10 =	vnsel vm1, $0x800, v8  }
.Ltmp2:
0x9b: {  	vm0 =	vlt.s32 v9, v10;
	vm1 =	veq.s32 v7, $0x0;
	v7 =	vor.u32 s20, v5;
	(pc) =	sbr.rel @p0 .LBB2_6-.Ltmp2, $4  }
0x9c: {  	v8 =	vld [tilespmem:s17+$0xFFFFFFF0];
	v9 =	vsel vm0, v9, v10;
	v13 =	vnsel vm1, $0x800, v7  }
0x9d: {  	v7 =	vor.u32 s15, v5;
	vm0 =	veq.s32 v12, $0x0;
	vm1 =	vlt.s32 v9, v13  }
0x9e: {  	s21 =	sadd.s32 $0x10, s15;
	v10 =	vnsel vm0, $0x800, v7;
	v7 =	vld [tilespmem:s17+$0x0];
	v9 =	vsel vm1, v9, v13  }
0x9f: {  	s19 =	sadd.s32 $0x40, s19;
	s20 =	sand.u32 $0x7C0, s13;
	vm0 =	vlt.s32 v9, v10;
	vm1 =	veq.s32 v11, $0x0;
	v11 =	vor.u32 s21, v5  }
0xa0: {  	v12 =	vld [tilespmem:s20+$0x800];
	v9 =	vsel vm0, v9, v10;
	v10 =	vnsel vm1, $0x800, v11;
	s19 =	sadd.s32 $0x20, s15  }
0xa1: {  	s17 =	sadd.s32 $0x40, s17;
	vm0 =	vlt.s32 v9, v10;
	vm8 =	veq.s32 v8, $0x0;
	v8 =	vor.u32 s19, v5  }
0xa2: {  	v11 =	vld [tilespmem:s17+$0xFFFFFFE0];
	s19 =	sadd.s32 $0x30, s15;
	v9 =	vsel vm0, v9, v10;
	v8 =	vnsel vm8, $0x800, v8  }
0xa3: {  	vm0 =	vlt.s32 v9, v8;
	vm9 =	veq.s32 v7, $0x0;
	v7 =	vor.u32 s19, v5  }
0xa4: {  	v10 =	vld [tilespmem:s17+$0xFFFFFFF0];
	v8 =	vsel vm0, v9, v8;
	v7 =	vnsel vm9, $0x800, v7  }
0xa5: {  	v9 =	vor.u32 s13, v5;
	vm10 =	veq.s32 v12, $0x0;
	vm1 =	vlt.s32 v8, v7  }
0xa6: {  	s20 =	sadd.s32 $0x10, s13;
	v63 =	vld [tilespmem:s17+$0x0];
	v9 =	vnsel vm10, $0x800, v9;
	v7 =	vsel vm1, v8, v7  }
0xa7: {  	vm11 =	veq.s32 v11, $0x0;
	v8 =	vor.u32 s20, v5;
	vm0 =	vlt.s32 v7, v9  }
0xa8: {  	s21 =	sadd.s32 $0x20, s13;
	v8 =	vnsel vm11, $0x800, v8;
	v7 =	vsel vm0, v7, v9  }
0xa9: {  	vm12 =	veq.s32 v10, $0x0;
	v9 =	vor.u32 s21, v5;
	vm0 =	vlt.s32 v7, v8  }
0xaa: {  	s17 =	sadd.s32 $0x30, s13;
	v7 =	vsel vm0, v7, v8;
	v8 =	vnsel vm12, $0x800, v9  }
0xab: {  	vm13 =	veq.s32 v63, $0x0;
	v9 =	vor.u32 s17, v5;
	vm0 =	vlt.s32 v7, v8  }
0xac: {  	v7 =	vsel vm0, v7, v8;
	v8 =	vnsel vm13, $0x800, v9  }
0xad: {  	vm0 =	vlt.s32 v7, v8  }
0xae: {  	v7 =	vsel vm0, v7, v8  }
0xaf: {  	v8 =	vperm.xlane v7, v2;
	_ =	sdelay $0x1  }
0xb0: {  	vm0 =	vlt.s32 v7, v8  }
0xb1: {  	v7 =	vsel vm0, v7, v8  }
0xb2: {  	v8 =	vperm.xlane v7, v3;
	_ =	sdelay $0x1  }
0xb3: {  	vm0 =	vlt.s32 v7, v8  }
0xb4: {  	v7 =	vsel vm0, v7, v8  }
0xb5: {  	v8 =	vperm.xlane v7, v4;
	_ =	sdelay $0x1  }
0xb6: {  	vm0 =	vlt.s32 v7, v8  }
0xb7: {  	v7 =	vsel vm0, v7, v8  }
0xb8: {  	v8 =	vperm.xlane v7, v6;
	_ =	sdelay $0x1  }
0xb9: {  	vm0 =	vlt.s32 v7, v8  }
0xba: {  	s19 =	simm.s32 $0x1400;
	v7 =	vsel vm0, v7, v8  }
0xbb: {  	v8 =	vld [tilespmem:s19+$0x0];
	v7 =	vadd.s32 $0xFFFFFFFF, v7  }
0xbc: {  	vm14 =	vgt.s32 v7, $0x1  }
0xbd: {  	v9 =	vnsel vm14, $0x1, v7  }
0xbe: {  	v7 =	vcvt.s32.f32 v9;
	_ =	sdelay $0x1  }
0xbf: {  	v8 =	vmul.f32 v7, v8;
	_ =	sdelay $0x1  }
0xc0: {  	v8 =	vtrunc.f32 v8  }
0xc1: {  	v10 =	vcvt.f32.s32 v8  }
0xc2: {  	v8 =	vadd.s32 $0xFFFFFFFF, v9  }
0xc3: {  	vm15 =	vlt.s32 v10, v8  }
0xc4: {  	v9 =	vsel vm15, v10, v8  }
0xc5: {  	s20 =	simm.s32 $0x0;
	v10 =	vand.u32 $0x3FFFF8, v9  }
0xc6: {  	v10 =	vadd.s32 s20, v10  }
0xc7: {  	v9 =	vshll.u32 v9, $0x7;
	v10 =	vshll.u32 v10, $0xA  }
0xc8: {  	s13 =	simm.s32 $0x0;
	v9 =	vand.u32 $0x380, v9;
	v10 =	vadd.s32 v1, v10  }
0xc9: {  	s21 =	sand.u32 $0x70, s13;
	v9 =	vor.u32 v9, v10  }
0xca: {  	v9 =	vor.u32 s21, v9  }
0xcb: {  	s15 =	simm.s32 $0x1C00;
	v9 =	vor.u32 v5, v9  }
0xcc: {  	s19 =	simm.s32 $0x1410;
	[tilespmem:s15+$0x0] =	vst v9  }
0xcd: {  	s17 =	simm.s32 $0x1;
	s20 =	simm.s32 $0x2;
	v9 =	vld [tilespmem:s19+$0x0]  }
.LBB2_8:
0xce: {  	p0 =	sne.s32 s20, $0x3F;
	_ =	sdelay $0x3  }
0xcf: {  	v9 =	vmul.f32 v7, v9;
	_ =	sdelay $0x1  }
0xd0: {  	v9 =	vtrunc.f32 v9  }
0xd1: {  	v9 =	vcvt.f32.s32 v9;
	_ =	sdelay $0x1  }
0xd2: {  	vm0 =	vlt.s32 v9, v8  }
0xd3: {  	v9 =	vsel vm0, v9, v8  }
0xd4: {  	s21 =	sshrl.u32 s17, $0x3;
	s17 =	smov.u32 s20;
	v10 =	vand.u32 $0x3FFFF8, v9  }
0xd5: {  	v10 =	vadd.s32 s21, v10  }
0xd6: {  	v9 =	vshll.u32 v9, $0x7;
	v10 =	vshll.u32 v10, $0xA  }
0xd7: {  	s13 =	sadd.s32 $0x10, s13;
	v9 =	vand.u32 $0x380, v9;
	v10 =	vadd.s32 v1, v10  }
.Ltmp3:
0xd8: {  	s21 =	sand.u32 $0x70, s13;
	v9 =	vor.u32 v9, v10;
	(pc) =	sbr.rel @p0 .LBB2_8-.Ltmp3, $4  }
0xd9: {  	v9 =	vor.u32 s21, v9  }
0xda: {  	s15 =	sadd.s32 $0x10, s15;
	v9 =	vor.u32 v5, v9  }
0xdb: {  	s19 =	sadd.s32 $0x10, s19;
	[tilespmem:s15+$0x0] =	vst v9  }
0xdc: {  	s20 =	sadd.s32 $0x1, s20;
	v9 =	vld [tilespmem:s19+$0x0]  }
0xdd: {  	_ =	sdelay $0x3  }
0xde: {  	v7 =	vmul.f32 v7, v9;
	_ =	sdelay $0x1  }
0xdf: {  	v7 =	vtrunc.f32 v7  }
0xe0: {  	v7 =	vcvt.f32.s32 v7;
	_ =	sdelay $0x1  }
0xe1: {  	vm0 =	vlt.s32 v7, v8  }
0xe2: {  	v7 =	vsel vm0, v7, v8  }
0xe3: {  	s17 =	sshrl.u32 s17, $0x3;
	v8 =	vand.u32 $0x3FFFF8, v7  }
0xe4: {  	v8 =	vadd.s32 s17, v8  }
0xe5: {  	v7 =	vshll.u32 v7, $0x7;
	v8 =	vshll.u32 v8, $0xA  }
0xe6: {  	s13 =	sadd.s32 $0x10, s13;
	v7 =	vand.u32 $0x380, v7;
	v8 =	vadd.s32 v1, v8  }
0xe7: {  	s13 =	sand.u32 $0x70, s13;
	v7 =	vor.u32 v7, v8  }
0xe8: {  	v7 =	vor.u32 s13, v7  }
0xe9: {  	s20 =	sadd.s32 $0x10, s15;
	v7 =	vor.u32 v5, v7  }
0xea: {  	s21 =	simm.s32 $0x1C00;
	[tilespmem:s20+$0x0] =	vst v7  }
0xeb: {  	[tilespmem:s14], [sflag:$0x1] =	stream.indirect.gather [hbm4b:s1+s11], $0x1, s21, s11, $0xb8;
	[tilespmem:$0x2800] =	vst v63  }
0xec: {  	s15 =	simm.s32 $0x1C80;
	s17 =	simm.s32 $0x2480  }
0xed: {  	[tilespmem:s17], [sflag:$0x1] =	stream.indirect.gather [hbm4b:s1+s11], $0x1, s15, s11, $0xb8;
	[tilespmem:$0x2800] =	vst v63  }
0xee: {  	s19 =	simm.s32 $0x1D00;
	s20 =	simm.s32 $0x2500  }
0xef: {  	[tilespmem:s20], [sflag:$0x1] =	stream.indirect.gather [hbm4b:s1+s11], $0x1, s19, s11, $0xb8;
	[tilespmem:$0x2800] =	vst v63  }
0xf0: {  	s21 =	simm.s32 $0x1D80  }
0xf1: {  	[tilespmem:s22], [sflag:$0x1] =	stream.indirect.gather [hbm4b:s1+s11], $0x1, s21, s11, $0xb8;
	[tilespmem:$0x2800] =	vst v63  }
0xf2: {  	_ = 	snop  }
0xf3: {  	[tilespmem:s24], [sflag:$0x1] =	stream.indirect.gather [hbm4b:s1+s11], $0x1, s23, s11, $0xb8;
	[tilespmem:$0x2800] =	vst v63  }
0xf4: {  	_ = 	snop  }
0xf5: {  	[tilespmem:s26], [sflag:$0x1] =	stream.indirect.gather [hbm4b:s1+s11], $0x1, s25, s11, $0xb8;
	[tilespmem:$0x2800] =	vst v63  }
0xf6: {  	_ = 	snop  }
0xf7: {  	[tilespmem:s29], [sflag:$0x1] =	stream.indirect.gather [hbm4b:s1+s11], $0x1, s28, s11, $0xb8;
	[tilespmem:$0x2800] =	vst v63  }
0xf8: {  	_ = 	snop  }
0xf9: {  	[tilespmem:s31], [sflag:$0x1] =	stream.indirect.gather [hbm4b:s1+s11], $0x1, s30, s11, $0xb8;
	[tilespmem:$0x2800] =	vst v63  }
0xfa: {  	_ =	swait.ge [sflag:s0], $0x80  }
0xfb: {  	[sflag:s0] =	ssyncset.done $0x0  }
0xfc: {  	[sflag:s0] =	ssyncadd.s32 $0xFFFFFF80  }
0xfd: {  	_ =	swait.ge [sflag:s0], $0x80  }
0xfe: {  	[sflag:s0] =	ssyncset.done $0x0  }
0xff: {  	[sflag:s0] =	ssyncadd.s32 $0xFFFFFF80  }
0x100: {  	_ =	swait.ge [sflag:s0], $0x80  }
0x101: {  	[sflag:s0] =	ssyncset.done $0x0  }
0x102: {  	[sflag:s0] =	ssyncadd.s32 $0xFFFFFF80  }
0x103: {  	_ =	swait.ge [sflag:s0], $0x80  }
0x104: {  	[sflag:s0] =	ssyncset.done $0x0  }
0x105: {  	[sflag:s0] =	ssyncadd.s32 $0xFFFFFF80  }
0x106: {  	_ =	swait.ge [sflag:s0], $0x80  }
0x107: {  	[sflag:s0] =	ssyncset.done $0x0  }
0x108: {  	[sflag:s0] =	ssyncadd.s32 $0xFFFFFF80  }
0x109: {  	_ =	swait.ge [sflag:s0], $0x80  }
0x10a: {  	[sflag:s0] =	ssyncset.done $0x0  }
0x10b: {  	[sflag:s0] =	ssyncadd.s32 $0xFFFFFF80  }
0x10c: {  	_ =	swait.ge [sflag:s0], $0x80  }
0x10d: {  	[sflag:s0] =	ssyncset.done $0x0  }
0x10e: {  	[sflag:s0] =	ssyncadd.s32 $0xFFFFFF80  }
0x10f: {  	_ =	swait.ge [sflag:s0], $0x80  }
0x110: {  	[sflag:s0] =	ssyncset.done $0x0  }
0x111: {  	[sflag:s0] =	ssyncadd.s32 $0xFFFFFF80  }
0x112: {  	[hbm4b:s8+s11] =	stream.strided.scatter [tilespmem:s18], [sflag:$0x2], $0x400, s12, s11, $0x38;
	[tilespmem:$0x2800] =	vst v63  }
0x113: {  	_ =	swait.ge [sflag:s0], $0x80  }
0x114: {  	[sflag:s0] =	ssyncset.done $0x0  }
0x115: {  	[sflag:s0] =	ssyncadd.s32 $0xFFFFFF80  }
0x116: {  	_ =	swait.ge [sflag:s0], $0x80  }
0x117: {  	[sflag:s0] =	ssyncset.done $0x0  }
0x118: {  	[sflag:s0] =	ssyncadd.s32 $0xFFFFFF80  }
0x119: {  	_ =	swait.ge [sflag:s0], $0x80  }
0x11a: {  	[sflag:s0] =	ssyncset.done $0x0  }
0x11b: {  	[sflag:s0] =	ssyncadd.s32 $0xFFFFFF80  }
0x11c: {  	_ =	swait.ge [sflag:s0], $0x80  }
0x11d: {  	[sflag:s0] =	ssyncset.done $0x0  }
0x11e: {  	[sflag:s0] =	ssyncadd.s32 $0xFFFFFF80  }
0x11f: {  	_ =	swait.ge [sflag:s0], $0x80  }
0x120: {  	[sflag:s0] =	ssyncset.done $0x0  }
0x121: {  	[sflag:s0] =	ssyncadd.s32 $0xFFFFFF80  }
0x122: {  	_ =	swait.ge [sflag:s0], $0x80  }
0x123: {  	[sflag:s0] =	ssyncset.done $0x0  }
0x124: {  	[sflag:s0] =	ssyncadd.s32 $0xFFFFFF80  }
0x125: {  	_ =	swait.ge [sflag:s0], $0x80  }
0x126: {  	[sflag:s0] =	ssyncset.done $0x0  }
0x127: {  	[sflag:s0] =	ssyncadd.s32 $0xFFFFFF80  }
0x128: {  	_ =	swait.ge [sflag:s0], $0x80  }
0x129: {  	[sflag:s0] =	ssyncset.done $0x0  }
0x12a: {  	s2 =	sadd.s32 $0x1, s2;
	[sflag:s0] =	ssyncadd.s32 $0xFFFFFF80  }
0x12b: {  	[hbm4b:s9+s11] =	stream.strided.scatter [tilespmem:s14], [sflag:$0x2], $0x400, s12, s11, $0x38;
	[tilespmem:$0x2800] =	vst v63  }
0x12c: {  	p0 =	sne.s32 s2, s10;
	_ =	swait.ge [sflag:s16], $0x400  }
.Ltmp4:
0x12d: {  	[sflag:s16] =	ssyncset.done $0x0;
	(pc) =	sbr.rel @p0 .LBB2_1-.Ltmp4, $4  }
0x12e: {  	[sflag:s16] =	ssyncadd.s32 $0xFFFFFC00  }
0x12f: {  	_ =	swait.ge [sflag:s16], $0x400  }
0x130: {  	[sflag:s16] =	ssyncset.done $0x0  }
0x131: {  	[sflag:s16] =	ssyncadd.s32 $0xFFFFFC00  }
0x132: {  	_ =	sfence.sel $0x180000  }
0x133: {  	[bflag:$0x0] =	sbarrier.arrive $0xFFFF  }
0x134: {  	_ =	strace $0x90000047  }
0x135: {  	s0 =	stileid.u32;
	[bflag:$0x2] =	sbarrier.arrive $0xFFFF  }
0x136: {  	p0 =	sne.s32 s0, $0x0;
	s0 =	rddreg [dreg:$0x4]  }
0x137: {  	s0 =	sadd.s32 @!p0 $0x100000, s0  }
0x138: {  	[sflag:s0] =	ssyncadd.tile.s32 @!p0 $0x1;
	_ =	shalt  }
.Lfunc_end2:
_tile_overlayer_lowered:
.L_overlay_start_2:
0x139: {  	(tag) =	ssettag $0x2  }
0x13a: {  	s0 =	rddreg [dreg:$0x0];
	s2 =	stileid.u32  }
0x13b: {  	s1 =	rddreg [dreg:$0x1];
	p0 =	sne.s32 s2, $0x0  }
0x13c: {  	s3 =	rddreg [dreg:$0x2];
	[bflag:$0x3] =	sbarrier.arrive $0xFFFF;
	s2 =	simm.s32 @!p0 $0x1C03  }
0x13d: {  	[timem:s3], [sflag:s2] =	dma.local @!p0 [hbm:s0], s1  }
0x13e: {  	s0 =	simm.s32 @!p0 $0x3  }
0x13f: {  	_ =	swait.ge @!p0 [sflag:s0], s1  }
0x140: {  	s1 =	ssub.s32 @!p0 $0x0, s1;
	[sflag:s0] =	ssyncset.done @!p0 $0x0  }
0x141: {  	[sflag:s0] =	ssyncadd.s32 @!p0 s1  }
0x142: {  	[bflag:$0x3] =	sbarrier.arrive $0xFFFF  }
0x143: {  	_ =	shalt  }

</sc_bundles>
